<compile_context>
chip_gen: v7x
topology: tpu7x:2x2x1
jax: 0.10.2.dev20260603
libtpu: 0.0.44.dev20260713+nightly
codegen_flags: <defaults>
</compile_context>

<pallas_src>
import functools

import jax
import jax.numpy as jnp
from jax import lax
from jax.experimental import pallas as pl
from jax.experimental.pallas import tpu as pltpu
from jax.experimental.pallas import tpu_sc as plsc

DIM = 32
DPAD = 128
CB = 8192
TOK = 16384

TPS = 2048
CCH = 1024
NSTEPS = TOK // TPS
NCH = CB // CCH

NW = 32
BPW = TOK // NW
KCH = 128
NK = BPW // KCH

RTPS = 2048
RNST = TOK // RTPS


def _argmin_body(x_ref, cb_ref, w_ref, idx_ref, imp_ref, impd_ref, c2_ref):
    i = pl.program_id(0)

    @pl.when(i == 0)
    def _():
        wp = jnp.concatenate(
            [w_ref[...], jnp.zeros((DPAD - DIM, DIM), jnp.float32)], axis=0)
        imp = lax.dot_general(
            cb_ref[...], wp,
            dimension_numbers=(((1,), (1,)), ((), ())),
            preferred_element_type=jnp.float32)
        imp_ref[...] = imp
        impd_ref[...] = -2.0 * imp
        c2_ref[...] = jnp.sum(imp * imp, axis=1, keepdims=True)

    x_t = x_ref[...]
    xp = jnp.concatenate(
        [x_t, jnp.zeros((TPS, DPAD - DIM), jnp.float32)], axis=1)
    best_val = jnp.full((1, TPS), jnp.inf, jnp.float32)
    best_idx = jnp.zeros((1, TPS), jnp.int32)
    io = lax.broadcasted_iota(jnp.int32, (CCH, TPS), 0).astype(jnp.float32)
    for c in range(NCH):
        impd_c = impd_ref[pl.ds(c * CCH, CCH), :]
        s = lax.dot_general(impd_c, xp, (((1,), (1,)), ((), ())),
                            preferred_element_type=jnp.float32)
        d = s + c2_ref[pl.ds(c * CCH, CCH), :]
        cmin = jnp.min(d, axis=0, keepdims=True)
        cidx = jnp.min(jnp.where(d == cmin, io, float(CB)),
                       axis=0, keepdims=True).astype(jnp.int32) + c * CCH
        upd = cmin < best_val
        best_idx = jnp.where(upd, cidx, best_idx)
        best_val = jnp.where(upd, cmin, best_val)
    idx_ref[...] = best_idx.reshape(1, 1, TPS)


def _argmin_call(xf, codebook, W):
    return pl.pallas_call(
        _argmin_body,
        grid=(NSTEPS,),
        in_specs=[
            pl.BlockSpec((TPS, DIM), lambda i: (i, 0)),
            pl.BlockSpec((CB, DIM), lambda i: (0, 0)),
            pl.BlockSpec((DIM, DIM), lambda i: (0, 0)),
        ],
        out_specs=[
            pl.BlockSpec((1, 1, TPS), lambda i: (i, 0, 0)),
            pl.BlockSpec((CB, DPAD), lambda i: (0, 0)),
        ],
        out_shape=[
            jax.ShapeDtypeStruct((NSTEPS, 1, TPS), jnp.int32),
            jax.ShapeDtypeStruct((CB, DPAD), jnp.float32),
        ],
        scratch_shapes=[pltpu.VMEM((CB, DPAD), jnp.float32),
                        pltpu.VMEM((CB, 1), jnp.float32)],
    )(xf, codebook, W)


def _sc_gather(table, idx3):
    mesh = plsc.VectorSubcoreMesh(core_axis_name="c", subcore_axis_name="s")

    @functools.partial(
        pl.kernel, mesh=mesh,
        out_type=jax.ShapeDtypeStruct((NW, NK, KCH, DPAD), jnp.float32),
        scratch_types=[
            pltpu.VMEM((NK, KCH), jnp.int32),
            pltpu.VMEM((NK, KCH, DPAD), jnp.float32),
            pltpu.SemaphoreType.DMA,
        ],
    )
    def gk(table_hbm, idx_hbm, out_hbm, idx_v, rows_v, sem):
        wid = lax.axis_index("s") * 2 + lax.axis_index("c")
        pltpu.sync_copy(idx_hbm.at[wid], idx_v)
        copies = []
        for j in range(NK):
            copies.append(
                pltpu.async_copy(table_hbm.at[idx_v.at[j]], rows_v.at[j], sem))
        for cp in copies:
            cp.wait()
        pltpu.sync_copy(rows_v, out_hbm.at[wid])

    return gk(table, idx3)


def _rot_body(x_ref, q_ref, out_ref, loss_ref):
    i = pl.program_id(0)
    x = x_ref[...]
    q = q_ref[...][:, :DIM]

    diff = x - q + 1e-6
    part = jnp.sum(diff * diff)

    @pl.when(i == 0)
    def _():
        loss_ref[0, 0] = 0.0

    loss_ref[0, 0] += part

    @pl.when(i == RNST - 1)
    def _():
        loss_ref[0, 0] = loss_ref[0, 0] * (1.0 / TOK)

    nx = jnp.sqrt(jnp.sum(x * x, axis=1, keepdims=True))
    nq = jnp.sqrt(jnp.sum(q * q, axis=1, keepdims=True))
    rnx = 1.0 / jnp.maximum(nx, 1e-6)
    rnq = 1.0 / jnp.maximum(nq, 1e-6)
    u = x * rnx
    qn = q * rnq
    w_raw = u + qn
    rnw = 1.0 / jnp.maximum(
        jnp.sqrt(jnp.sum(w_raw * w_raw, axis=1, keepdims=True)), 1e-12)
    wn = w_raw * rnw
    dot_ew = jnp.sum(x * wn, axis=1, keepdims=True)
    dot_eu = jnp.sum(x * u, axis=1, keepdims=True)
    rot = x - 2.0 * dot_ew * wn + 2.0 * dot_eu * qn
    out_ref[...] = rot * (nq * rnx)


def _rot_call(xf, qf):
    return pl.pallas_call(
        _rot_body,
        grid=(RNST,),
        in_specs=[
            pl.BlockSpec((RTPS, DIM), lambda i: (i, 0)),
            pl.BlockSpec((RTPS, DPAD), lambda i: (i, 0)),
        ],
        out_specs=[
            pl.BlockSpec((RTPS, DIM), lambda i: (i, 0)),
            pl.BlockSpec(memory_space=pltpu.SMEM),
        ],
        out_shape=[
            jax.ShapeDtypeStruct((TOK, DIM), jnp.float32),
            jax.ShapeDtypeStruct((1, 1), jnp.float32),
        ],
    )(xf, qf)


def kernel(x, W, codebook):
    b, n, d = x.shape
    xf = x.reshape(TOK, DIM)
    idx3, implicit = _argmin_call(xf, codebook, W)
    idx = idx3.reshape(TOK)
    q4 = _sc_gather(implicit, idx.reshape(NW, NK, KCH))
    q_out, loss = _rot_call(xf, q4.reshape(TOK, DPAD))
    return (q_out.reshape(b, n, d), idx.reshape(b, n), loss[0, 0])

# --- scband reference (transcript-rebuilt; emitter-appended) ---
"""Pipeline reference for scband-sim-vq-79070347919417 (READ-ONLY COPY).

The authoritative reference and input builder live on the scoring server;
editing this copy changes nothing except your own understanding.
"""

import jax, jax.numpy as jnp
import numpy as np

DIM = 32
CODEBOOK_SIZE = 8192
B = 16
N = 1024


def setup_inputs(seed: int = 0) -> dict:
    key = jax.random.key(seed)
    k1, k2, k3 = jax.random.split(key, 3)
    x = jax.random.normal(k1, (B, N, DIM), dtype=jnp.float32)
    # registered buffer: codebook ~ randn(codebook_size, dim)
    codebook = jax.random.normal(k2, (CODEBOOK_SIZE, DIM), dtype=jnp.float32)
    # nn.Linear(dim, dim, bias=False) weight, kaiming-uniform-ish scale
    bound = 1.0 / np.sqrt(DIM)
    W = jax.random.uniform(k3, (DIM, DIM), dtype=jnp.float32, minval=-bound, maxval=bound)
    return {"x": x, "W": W, "codebook": codebook}


def reference(x, W, codebook):
    d = x.shape[-1]
    # implicit_codebook = self.codebook_to_codes(self.codebook)  (Linear, no bias)
    implicit = codebook @ W.T  # [C, d]
    # with torch.no_grad(): dist = cdist(x, implicit); indices = argmin
    x2 = jnp.sum(x * x, axis=-1, keepdims=True)           # [b, n, 1]
    c2 = jnp.sum(implicit * implicit, axis=-1)            # [C]
    d2 = x2 + c2[None, None, :] - 2.0 * jnp.einsum('bnd,cd->bnc', x, implicit)
    dist = jnp.sqrt(jnp.clip(d2, 0.0))                    # [b, n, C]
    indices = jnp.argmin(dist, axis=-1)                   # [b, n]
    # quantized = implicit_codebook[indices]
    quantized = jnp.take(implicit, indices, axis=0)       # [b, n, d]
    # commit_loss = (pairwise_distance(x, quantized.detach()) ** 2).mean()
    diff = x - quantized + 1e-6
    commit_loss = jnp.mean(jnp.sum(diff * diff, axis=-1))
    # pack to [b*n, d]
    xf = x.reshape(-1, d)
    qf = quantized.reshape(-1, d)
    norm_x = jnp.linalg.norm(xf, axis=-1, keepdims=True)
    norm_q = jnp.linalg.norm(qf, axis=-1, keepdims=True)
    u = xf / jnp.clip(norm_x, 1e-6)
    qn = qf / jnp.clip(norm_q, 1e-6)
    # efficient rotation trick transform
    w_raw = u + qn
    w = w_raw / jnp.clip(jnp.linalg.norm(w_raw, axis=-1, keepdims=True), 1e-12)
    dot_ew = jnp.sum(xf * w, axis=-1, keepdims=True)
    dot_eu = jnp.sum(xf * u, axis=-1, keepdims=True)
    rot = xf - 2.0 * dot_ew * w + 2.0 * dot_eu * qn       # [b*n, d]
    scale = norm_q / jnp.clip(norm_x, 1e-6)
    q_out = (rot * scale).reshape(x.shape)                # [b, n, d]
    return (q_out, indices, commit_loss)

if __name__ == "__main__":
    import jax
    _d = setup_inputs()
    print(jax.jit(kernel)(*tuple(_d.values())))

</pallas_src>

<mosaic_0001>
#map = affine_map<(d0, d1) -> (0, 0)>
#map1 = affine_map<(d0, d1) -> (0, 0, 0)>
#map2 = affine_map<(d0, d1) -> (0, 0, 0, 0)>
module attributes {stable_mosaic.version = 14 : i64} {
  func.func @gk(%arg0: i32, %arg1: i32, %arg2: memref<8192x128xf32, #tpu.memory_space<hbm>>, %arg3: memref<32x4x128xi32, #tpu.memory_space<hbm>>, %arg4: memref<32x4x128x128xf32, #tpu.memory_space<hbm>>, %arg5: memref<4x128xi32, #tpu.memory_space<vmem>>, %arg6: memref<4x128x128xf32, #tpu.memory_space<vmem>>, %arg7: memref<!tpu.dma_semaphore, #tpu.memory_space<semaphore_mem>>) attributes {dimension_semantics = [#tpu.dimension_semantics<core_parallel>, #tpu.dimension_semantics<subcore_parallel>], iteration_bounds = array<i64: 2, 16>, scalar_prefetch = 0 : i64, scratch_operands = 3 : i64, tpu.core_type = #tpu.core_type<sc_vector_subcore>, window_params = [{transform_indices = #map}, {transform_indices = #map1}, {transform_indices = #map2}]} {
    %mul3A = arith.constant 2 : i32
    %mul3A_0 = arith.muli %arg1, %mul3A : i32
    %add3A = arith.addi %mul3A_0, %arg0 : i32
    "tpu.region"() ({
      %run_scoped3A = tpu.sem_alloc : memref<!tpu.dma_semaphore, #tpu.memory_space<semaphore_mem>>
      %dma_start3A_95 = arith.constant 0 : i32
      %dma_start3A_96 = arith.constant 0 : i32
      %dma_start3A_97 = tpu.memref_slice %arg3[%add3A, %dma_start3A_95, %dma_start3A_96] : memref<32x4x128xi32, #tpu.memory_space<hbm>> -> memref<1x4x128xi32, #tpu.memory_space<hbm>>
      %dma_start3A_98 = tpu.memref_squeeze %dma_start3A_97 : memref<1x4x128xi32, #tpu.memory_space<hbm>> -> memref<4x128xi32, #tpu.memory_space<hbm>>
      %dma_start3A_99 = arith.constant 0 : i32
      %dma_start3A_100 = arith.constant 0 : i32
      %dma_start3A_101 = tpu.memref_slice %arg3[%add3A, %dma_start3A_99, %dma_start3A_100] : memref<32x4x128xi32, #tpu.memory_space<hbm>> -> memref<1x4x128xi32, #tpu.memory_space<hbm>>
      %dma_start3A_102 = tpu.memref_squeeze %dma_start3A_101 : memref<1x4x128xi32, #tpu.memory_space<hbm>> -> memref<4x128xi32, #tpu.memory_space<hbm>>
      tpu.enqueue_dma source(%dma_start3A_102 : memref<4x128xi32, #tpu.memory_space<hbm>>) target(%arg5 : memref<4x128xi32, #tpu.memory_space<vmem>>) target_semaphore(%run_scoped3A : memref<!tpu.dma_semaphore, #tpu.memory_space<semaphore_mem>>)
      %dma_wait3A_103 = arith.constant 0 : i32
      %dma_wait3A_104 = arith.constant 0 : i32
      %dma_wait3A_105 = tpu.memref_slice %arg3[%add3A, %dma_wait3A_103, %dma_wait3A_104] : memref<32x4x128xi32, #tpu.memory_space<hbm>> -> memref<1x4x128xi32, #tpu.memory_space<hbm>>
      %dma_wait3A_106 = tpu.memref_squeeze %dma_wait3A_105 : memref<1x4x128xi32, #tpu.memory_space<hbm>> -> memref<4x128xi32, #tpu.memory_space<hbm>>
      %dma_wait3A_107 = arith.constant 0 : i32
      %dma_wait3A_108 = arith.constant 0 : i32
      %dma_wait3A_109 = tpu.memref_slice %arg3[%add3A, %dma_wait3A_107, %dma_wait3A_108] : memref<32x4x128xi32, #tpu.memory_space<hbm>> -> memref<1x4x128xi32, #tpu.memory_space<hbm>>
      %dma_wait3A_110 = tpu.memref_squeeze %dma_wait3A_109 : memref<1x4x128xi32, #tpu.memory_space<hbm>> -> memref<4x128xi32, #tpu.memory_space<hbm>>
      tpu.wait_dma2 semaphore(%run_scoped3A : memref<!tpu.dma_semaphore, #tpu.memory_space<semaphore_mem>>) src(%dma_wait3A_110 : memref<4x128xi32, #tpu.memory_space<hbm>>) dst(%arg5 : memref<4x128xi32, #tpu.memory_space<vmem>>)
      tpu.yield
    }) : () -> ()
    %dma_start3A = arith.constant 0 : i32
    %dma_start3A_1 = arith.constant 0 : i32
    %dma_start3A_2 = arith.constant 0 : i32
    %dma_start3A_3 = arith.constant 0 : i32
    %dma_start3A_4 = tpu.memref_slice %arg6[%dma_start3A_1, %dma_start3A_2, %dma_start3A_3] : memref<4x128x128xf32, #tpu.memory_space<vmem>> -> memref<1x128x128xf32, #tpu.memory_space<vmem>>
    %dma_start3A_5 = tpu.memref_squeeze %dma_start3A_4 : memref<1x128x128xf32, #tpu.memory_space<vmem>> -> memref<128x128xf32, #tpu.memory_space<vmem>>
    %dma_start3A_6 = arith.constant 0 : i32
    %dma_start3A_7 = tpu.memref_slice %arg5[%dma_start3A, %dma_start3A_6] : memref<4x128xi32, #tpu.memory_space<vmem>> -> memref<1x128xi32, #tpu.memory_space<vmem>>
    %dma_start3A_8 = tpu.memref_squeeze %dma_start3A_7 : memref<1x128xi32, #tpu.memory_space<vmem>> -> memref<128xi32, #tpu.memory_space<vmem>>
    %dma_start3A_9 = arith.constant 0 : i32
    %dma_start3A_10 = arith.constant 0 : i32
    %dma_start3A_11 = tpu.memref_slice %arg2[%dma_start3A_9, %dma_start3A_10] : memref<8192x128xf32, #tpu.memory_space<hbm>> -> memref<8192x128xf32, #tpu.memory_space<hbm>>
    tpu.enqueue_indirect_dma source(%dma_start3A_11 : memref<8192x128xf32, #tpu.memory_space<hbm>>) target(%dma_start3A_5 : memref<128x128xf32, #tpu.memory_space<vmem>>) offsets(%dma_start3A_8 : memref<128xi32, #tpu.memory_space<vmem>>) semaphore(%arg7 : memref<!tpu.dma_semaphore, #tpu.memory_space<semaphore_mem>>)
    %dma_start3A_12 = arith.constant 1 : i32
    %dma_start3A_13 = arith.constant 1 : i32
    %dma_start3A_14 = arith.constant 0 : i32
    %dma_start3A_15 = arith.constant 0 : i32
    %dma_start3A_16 = tpu.memref_slice %arg6[%dma_start3A_13, %dma_start3A_14, %dma_start3A_15] : memref<4x128x128xf32, #tpu.memory_space<vmem>> -> memref<1x128x128xf32, #tpu.memory_space<vmem>>
    %dma_start3A_17 = tpu.memref_squeeze %dma_start3A_16 : memref<1x128x128xf32, #tpu.memory_space<vmem>> -> memref<128x128xf32, #tpu.memory_space<vmem>>
    %dma_start3A_18 = arith.constant 0 : i32
    %dma_start3A_19 = tpu.memref_slice %arg5[%dma_start3A_12, %dma_start3A_18] : memref<4x128xi32, #tpu.memory_space<vmem>> -> memref<1x128xi32, #tpu.memory_space<vmem>>
    %dma_start3A_20 = tpu.memref_squeeze %dma_start3A_19 : memref<1x128xi32, #tpu.memory_space<vmem>> -> memref<128xi32, #tpu.memory_space<vmem>>
    %dma_start3A_21 = arith.constant 0 : i32
    %dma_start3A_22 = arith.constant 0 : i32
    %dma_start3A_23 = tpu.memref_slice %arg2[%dma_start3A_21, %dma_start3A_22] : memref<8192x128xf32, #tpu.memory_space<hbm>> -> memref<8192x128xf32, #tpu.memory_space<hbm>>
    tpu.enqueue_indirect_dma source(%dma_start3A_23 : memref<8192x128xf32, #tpu.memory_space<hbm>>) target(%dma_start3A_17 : memref<128x128xf32, #tpu.memory_space<vmem>>) offsets(%dma_start3A_20 : memref<128xi32, #tpu.memory_space<vmem>>) semaphore(%arg7 : memref<!tpu.dma_semaphore, #tpu.memory_space<semaphore_mem>>)
    %dma_start3A_24 = arith.constant 2 : i32
    %dma_start3A_25 = arith.constant 2 : i32
    %dma_start3A_26 = arith.constant 0 : i32
    %dma_start3A_27 = arith.constant 0 : i32
    %dma_start3A_28 = tpu.memref_slice %arg6[%dma_start3A_25, %dma_start3A_26, %dma_start3A_27] : memref<4x128x128xf32, #tpu.memory_space<vmem>> -> memref<1x128x128xf32, #tpu.memory_space<vmem>>
    %dma_start3A_29 = tpu.memref_squeeze %dma_start3A_28 : memref<1x128x128xf32, #tpu.memory_space<vmem>> -> memref<128x128xf32, #tpu.memory_space<vmem>>
    %dma_start3A_30 = arith.constant 0 : i32
    %dma_start3A_31 = tpu.memref_slice %arg5[%dma_start3A_24, %dma_start3A_30] : memref<4x128xi32, #tpu.memory_space<vmem>> -> memref<1x128xi32, #tpu.memory_space<vmem>>
    %dma_start3A_32 = tpu.memref_squeeze %dma_start3A_31 : memref<1x128xi32, #tpu.memory_space<vmem>> -> memref<128xi32, #tpu.memory_space<vmem>>
    %dma_start3A_33 = arith.constant 0 : i32
    %dma_start3A_34 = arith.constant 0 : i32
    %dma_start3A_35 = tpu.memref_slice %arg2[%dma_start3A_33, %dma_start3A_34] : memref<8192x128xf32, #tpu.memory_space<hbm>> -> memref<8192x128xf32, #tpu.memory_space<hbm>>
    tpu.enqueue_indirect_dma source(%dma_start3A_35 : memref<8192x128xf32, #tpu.memory_space<hbm>>) target(%dma_start3A_29 : memref<128x128xf32, #tpu.memory_space<vmem>>) offsets(%dma_start3A_32 : memref<128xi32, #tpu.memory_space<vmem>>) semaphore(%arg7 : memref<!tpu.dma_semaphore, #tpu.memory_space<semaphore_mem>>)
    %dma_start3A_36 = arith.constant 3 : i32
    %dma_start3A_37 = arith.constant 3 : i32
    %dma_start3A_38 = arith.constant 0 : i32
    %dma_start3A_39 = arith.constant 0 : i32
    %dma_start3A_40 = tpu.memref_slice %arg6[%dma_start3A_37, %dma_start3A_38, %dma_start3A_39] : memref<4x128x128xf32, #tpu.memory_space<vmem>> -> memref<1x128x128xf32, #tpu.memory_space<vmem>>
    %dma_start3A_41 = tpu.memref_squeeze %dma_start3A_40 : memref<1x128x128xf32, #tpu.memory_space<vmem>> -> memref<128x128xf32, #tpu.memory_space<vmem>>
    %dma_start3A_42 = arith.constant 0 : i32
    %dma_start3A_43 = tpu.memref_slice %arg5[%dma_start3A_36, %dma_start3A_42] : memref<4x128xi32, #tpu.memory_space<vmem>> -> memref<1x128xi32, #tpu.memory_space<vmem>>
    %dma_start3A_44 = tpu.memref_squeeze %dma_start3A_43 : memref<1x128xi32, #tpu.memory_space<vmem>> -> memref<128xi32, #tpu.memory_space<vmem>>
    %dma_start3A_45 = arith.constant 0 : i32
    %dma_start3A_46 = arith.constant 0 : i32
    %dma_start3A_47 = tpu.memref_slice %arg2[%dma_start3A_45, %dma_start3A_46] : memref<8192x128xf32, #tpu.memory_space<hbm>> -> memref<8192x128xf32, #tpu.memory_space<hbm>>
    tpu.enqueue_indirect_dma source(%dma_start3A_47 : memref<8192x128xf32, #tpu.memory_space<hbm>>) target(%dma_start3A_41 : memref<128x128xf32, #tpu.memory_space<vmem>>) offsets(%dma_start3A_44 : memref<128xi32, #tpu.memory_space<vmem>>) semaphore(%arg7 : memref<!tpu.dma_semaphore, #tpu.memory_space<semaphore_mem>>)
    %dma_wait3A = arith.constant 0 : i32
    %dma_wait3A_48 = arith.constant 0 : i32
    %dma_wait3A_49 = arith.constant 0 : i32
    %dma_wait3A_50 = arith.constant 0 : i32
    %dma_wait3A_51 = tpu.memref_slice %arg6[%dma_wait3A_48, %dma_wait3A_49, %dma_wait3A_50] : memref<4x128x128xf32, #tpu.memory_space<vmem>> -> memref<1x128x128xf32, #tpu.memory_space<vmem>>
    %dma_wait3A_52 = tpu.memref_squeeze %dma_wait3A_51 : memref<1x128x128xf32, #tpu.memory_space<vmem>> -> memref<128x128xf32, #tpu.memory_space<vmem>>
    %dma_wait3A_53 = arith.constant 0 : i32
    %dma_wait3A_54 = tpu.memref_slice %arg5[%dma_wait3A, %dma_wait3A_53] : memref<4x128xi32, #tpu.memory_space<vmem>> -> memref<1x128xi32, #tpu.memory_space<vmem>>
    %dma_wait3A_55 = tpu.memref_squeeze %dma_wait3A_54 : memref<1x128xi32, #tpu.memory_space<vmem>> -> memref<128xi32, #tpu.memory_space<vmem>>
    %dma_wait3A_56 = arith.constant 0 : i32
    %dma_wait3A_57 = arith.constant 0 : i32
    %dma_wait3A_58 = tpu.memref_slice %arg2[%dma_wait3A_56, %dma_wait3A_57] : memref<8192x128xf32, #tpu.memory_space<hbm>> -> memref<8192x128xf32, #tpu.memory_space<hbm>>
    tpu.wait_indirect_dma semaphore(%arg7 : memref<!tpu.dma_semaphore, #tpu.memory_space<semaphore_mem>>) src(%dma_wait3A_58 : memref<8192x128xf32, #tpu.memory_space<hbm>>) dst(%dma_wait3A_52 : memref<128x128xf32, #tpu.memory_space<vmem>>)
    %dma_wait3A_59 = arith.constant 1 : i32
    %dma_wait3A_60 = arith.constant 1 : i32
    %dma_wait3A_61 = arith.constant 0 : i32
    %dma_wait3A_62 = arith.constant 0 : i32
    %dma_wait3A_63 = tpu.memref_slice %arg6[%dma_wait3A_60, %dma_wait3A_61, %dma_wait3A_62] : memref<4x128x128xf32, #tpu.memory_space<vmem>> -> memref<1x128x128xf32, #tpu.memory_space<vmem>>
    %dma_wait3A_64 = tpu.memref_squeeze %dma_wait3A_63 : memref<1x128x128xf32, #tpu.memory_space<vmem>> -> memref<128x128xf32, #tpu.memory_space<vmem>>
    %dma_wait3A_65 = arith.constant 0 : i32
    %dma_wait3A_66 = tpu.memref_slice %arg5[%dma_wait3A_59, %dma_wait3A_65] : memref<4x128xi32, #tpu.memory_space<vmem>> -> memref<1x128xi32, #tpu.memory_space<vmem>>
    %dma_wait3A_67 = tpu.memref_squeeze %dma_wait3A_66 : memref<1x128xi32, #tpu.memory_space<vmem>> -> memref<128xi32, #tpu.memory_space<vmem>>
    %dma_wait3A_68 = arith.constant 0 : i32
    %dma_wait3A_69 = arith.constant 0 : i32
    %dma_wait3A_70 = tpu.memref_slice %arg2[%dma_wait3A_68, %dma_wait3A_69] : memref<8192x128xf32, #tpu.memory_space<hbm>> -> memref<8192x128xf32, #tpu.memory_space<hbm>>
    tpu.wait_indirect_dma semaphore(%arg7 : memref<!tpu.dma_semaphore, #tpu.memory_space<semaphore_mem>>) src(%dma_wait3A_70 : memref<8192x128xf32, #tpu.memory_space<hbm>>) dst(%dma_wait3A_64 : memref<128x128xf32, #tpu.memory_space<vmem>>)
    %dma_wait3A_71 = arith.constant 2 : i32
    %dma_wait3A_72 = arith.constant 2 : i32
    %dma_wait3A_73 = arith.constant 0 : i32
    %dma_wait3A_74 = arith.constant 0 : i32
    %dma_wait3A_75 = tpu.memref_slice %arg6[%dma_wait3A_72, %dma_wait3A_73, %dma_wait3A_74] : memref<4x128x128xf32, #tpu.memory_space<vmem>> -> memref<1x128x128xf32, #tpu.memory_space<vmem>>
    %dma_wait3A_76 = tpu.memref_squeeze %dma_wait3A_75 : memref<1x128x128xf32, #tpu.memory_space<vmem>> -> memref<128x128xf32, #tpu.memory_space<vmem>>
    %dma_wait3A_77 = arith.constant 0 : i32
    %dma_wait3A_78 = tpu.memref_slice %arg5[%dma_wait3A_71, %dma_wait3A_77] : memref<4x128xi32, #tpu.memory_space<vmem>> -> memref<1x128xi32, #tpu.memory_space<vmem>>
    %dma_wait3A_79 = tpu.memref_squeeze %dma_wait3A_78 : memref<1x128xi32, #tpu.memory_space<vmem>> -> memref<128xi32, #tpu.memory_space<vmem>>
    %dma_wait3A_80 = arith.constant 0 : i32
    %dma_wait3A_81 = arith.constant 0 : i32
    %dma_wait3A_82 = tpu.memref_slice %arg2[%dma_wait3A_80, %dma_wait3A_81] : memref<8192x128xf32, #tpu.memory_space<hbm>> -> memref<8192x128xf32, #tpu.memory_space<hbm>>
    tpu.wait_indirect_dma semaphore(%arg7 : memref<!tpu.dma_semaphore, #tpu.memory_space<semaphore_mem>>) src(%dma_wait3A_82 : memref<8192x128xf32, #tpu.memory_space<hbm>>) dst(%dma_wait3A_76 : memref<128x128xf32, #tpu.memory_space<vmem>>)
    %dma_wait3A_83 = arith.constant 3 : i32
    %dma_wait3A_84 = arith.constant 3 : i32
    %dma_wait3A_85 = arith.constant 0 : i32
    %dma_wait3A_86 = arith.constant 0 : i32
    %dma_wait3A_87 = tpu.memref_slice %arg6[%dma_wait3A_84, %dma_wait3A_85, %dma_wait3A_86] : memref<4x128x128xf32, #tpu.memory_space<vmem>> -> memref<1x128x128xf32, #tpu.memory_space<vmem>>
    %dma_wait3A_88 = tpu.memref_squeeze %dma_wait3A_87 : memref<1x128x128xf32, #tpu.memory_space<vmem>> -> memref<128x128xf32, #tpu.memory_space<vmem>>
    %dma_wait3A_89 = arith.constant 0 : i32
    %dma_wait3A_90 = tpu.memref_slice %arg5[%dma_wait3A_83, %dma_wait3A_89] : memref<4x128xi32, #tpu.memory_space<vmem>> -> memref<1x128xi32, #tpu.memory_space<vmem>>
    %dma_wait3A_91 = tpu.memref_squeeze %dma_wait3A_90 : memref<1x128xi32, #tpu.memory_space<vmem>> -> memref<128xi32, #tpu.memory_space<vmem>>
    %dma_wait3A_92 = arith.constant 0 : i32
    %dma_wait3A_93 = arith.constant 0 : i32
    %dma_wait3A_94 = tpu.memref_slice %arg2[%dma_wait3A_92, %dma_wait3A_93] : memref<8192x128xf32, #tpu.memory_space<hbm>> -> memref<8192x128xf32, #tpu.memory_space<hbm>>
    tpu.wait_indirect_dma semaphore(%arg7 : memref<!tpu.dma_semaphore, #tpu.memory_space<semaphore_mem>>) src(%dma_wait3A_94 : memref<8192x128xf32, #tpu.memory_space<hbm>>) dst(%dma_wait3A_88 : memref<128x128xf32, #tpu.memory_space<vmem>>)
    "tpu.region"() ({
      %run_scoped3A = tpu.sem_alloc : memref<!tpu.dma_semaphore, #tpu.memory_space<semaphore_mem>>
      %dma_start3A_95 = arith.constant 0 : i32
      %dma_start3A_96 = arith.constant 0 : i32
      %dma_start3A_97 = arith.constant 0 : i32
      %dma_start3A_98 = tpu.memref_slice %arg4[%add3A, %dma_start3A_95, %dma_start3A_96, %dma_start3A_97] : memref<32x4x128x128xf32, #tpu.memory_space<hbm>> -> memref<1x4x128x128xf32, #tpu.memory_space<hbm>>
      %dma_start3A_99 = tpu.memref_squeeze %dma_start3A_98 : memref<1x4x128x128xf32, #tpu.memory_space<hbm>> -> memref<4x128x128xf32, #tpu.memory_space<hbm>>
      %dma_start3A_100 = arith.constant 0 : i32
      %dma_start3A_101 = arith.constant 0 : i32
      %dma_start3A_102 = arith.constant 0 : i32
      %dma_start3A_103 = tpu.memref_slice %arg4[%add3A, %dma_start3A_100, %dma_start3A_101, %dma_start3A_102] : memref<32x4x128x128xf32, #tpu.memory_space<hbm>> -> memref<1x4x128x128xf32, #tpu.memory_space<hbm>>
      %dma_start3A_104 = tpu.memref_squeeze %dma_start3A_103 : memref<1x4x128x128xf32, #tpu.memory_space<hbm>> -> memref<4x128x128xf32, #tpu.memory_space<hbm>>
      tpu.enqueue_dma source(%arg6 : memref<4x128x128xf32, #tpu.memory_space<vmem>>) target(%dma_start3A_104 : memref<4x128x128xf32, #tpu.memory_space<hbm>>) target_semaphore(%run_scoped3A : memref<!tpu.dma_semaphore, #tpu.memory_space<semaphore_mem>>)
      %dma_wait3A_105 = arith.constant 0 : i32
      %dma_wait3A_106 = arith.constant 0 : i32
      %dma_wait3A_107 = arith.constant 0 : i32
      %dma_wait3A_108 = tpu.memref_slice %arg4[%add3A, %dma_wait3A_105, %dma_wait3A_106, %dma_wait3A_107] : memref<32x4x128x128xf32, #tpu.memory_space<hbm>> -> memref<1x4x128x128xf32, #tpu.memory_space<hbm>>
      %dma_wait3A_109 = tpu.memref_squeeze %dma_wait3A_108 : memref<1x4x128x128xf32, #tpu.memory_space<hbm>> -> memref<4x128x128xf32, #tpu.memory_space<hbm>>
      %dma_wait3A_110 = arith.constant 0 : i32
      %dma_wait3A_111 = arith.constant 0 : i32
      %dma_wait3A_112 = arith.constant 0 : i32
      %dma_wait3A_113 = tpu.memref_slice %arg4[%add3A, %dma_wait3A_110, %dma_wait3A_111, %dma_wait3A_112] : memref<32x4x128x128xf32, #tpu.memory_space<hbm>> -> memref<1x4x128x128xf32, #tpu.memory_space<hbm>>
      %dma_wait3A_114 = tpu.memref_squeeze %dma_wait3A_113 : memref<1x4x128x128xf32, #tpu.memory_space<hbm>> -> memref<4x128x128xf32, #tpu.memory_space<hbm>>
      tpu.wait_dma2 semaphore(%run_scoped3A : memref<!tpu.dma_semaphore, #tpu.memory_space<semaphore_mem>>) src(%arg6 : memref<4x128x128xf32, #tpu.memory_space<vmem>>) dst(%dma_wait3A_114 : memref<4x128x128xf32, #tpu.memory_space<hbm>>)
      tpu.yield
    }) : () -> ()
    return
  }
}

module attributes {stable_mosaic.version = 14 : i64} {
  func.func @_argmin_body(%arg0: i32, %arg1: memref<2048x32xf32, #tpu.memory_space<vmem>>, %arg2: memref<8192x32xf32, #tpu.memory_space<vmem>>, %arg3: memref<32x32xf32, #tpu.memory_space<vmem>>, %arg4: memref<1x1x2048xi32, #tpu.memory_space<vmem>>, %arg5: memref<8192x128xf32, #tpu.memory_space<vmem>>, %arg6: memref<8192x128xf32, #tpu.memory_space<vmem>>, %arg7: memref<8192x1xf32, #tpu.memory_space<vmem>>) attributes {dimension_semantics = [#tpu.dimension_semantics<arbitrary>], iteration_bounds = array<i64: 8>, scalar_prefetch = 0 : i64, scratch_operands = 2 : i64, tpu.core_type = #tpu.core_type<tc>, window_params = [{transform_indices = @transform_0, window_bounds = array<i64: 2048, 32>}, {pipeline_mode = #tpu.pipeline_mode<synchronous>, transform_indices = @transform_1, window_bounds = array<i64: 8192, 32>}, {pipeline_mode = #tpu.pipeline_mode<synchronous>, transform_indices = @transform_2, window_bounds = array<i64: 32, 32>}, {transform_indices = @transform_3, window_bounds = array<i64: 1, 1, 2048>}, {pipeline_mode = #tpu.pipeline_mode<synchronous>, transform_indices = @transform_4, window_bounds = array<i64: 8192, 128>}]} {
    %eq3A = arith.constant 0 : i32
    %eq3A_0 = arith.cmpi eq, %arg0, %eq3A : i32
    %convert_element_type3A = arith.extui %eq3A_0 : i1 to i32
    %cond3A = arith.constant 0 : i32
    %cond3A_1 = arith.cmpi ne, %convert_element_type3A, %cond3A : i32
    scf.if %cond3A_1 {
      %get3A_230 = arith.constant 0 : index
      %get3A_231 = arith.constant 0 : index
      %get3A_232 = vector.load %arg3[%get3A_230, %get3A_231] : memref<32x32xf32, #tpu.memory_space<vmem>>, vector<32x32xf32>
      %broadcast_in_dim3A_233 = arith.constant 0.000000e+00 : f32
      %broadcast_in_dim3A_234 = vector.broadcast %broadcast_in_dim3A_233 : f32 to vector<96x32xf32>
      %concatenate3A_235 = tpu.concatenate %get3A_232, %broadcast_in_dim3A_234 in 0 : vector<32x32xf32>, vector<96x32xf32> -> vector<128x32xf32>
      %get3A_236 = arith.constant 0 : index
      %get3A_237 = arith.constant 0 : index
      %get3A_238 = vector.load %arg2[%get3A_236, %get3A_237] : memref<8192x32xf32, #tpu.memory_space<vmem>>, vector<8192x32xf32>
      %dot_general3A_239 = arith.constant dense<0.000000e+00> : vector<8192x128xf32>
      %dot_general3A_240 = tpu.matmul %get3A_238, %concatenate3A_235, %dot_general3A_239 {dimension_numbers = #tpu.dot_dimension_numbers<[1], [1], [0], [0], [0, 0, 1, 0], [], []>, transpose_lhs_hint = false} : vector<8192x32xf32>, vector<128x32xf32>, vector<8192x128xf32> -> vector<8192x128xf32>
      %swap3A_241 = arith.constant 0 : index
      %swap3A_242 = arith.constant 0 : index
      %swap3A_243 = vector.load %arg5[%swap3A_241, %swap3A_242] : memref<8192x128xf32, #tpu.memory_space<vmem>>, vector<8192x128xf32>
      tpu.vector_store %arg5[%swap3A_241, %swap3A_242], %dot_general3A_240 {strides = array<i32>} : memref<8192x128xf32, #tpu.memory_space<vmem>>, vector<8192x128xf32>,
      %mul3A = arith.constant -2.000000e+00 : f32
      %mul3A_244 = vector.broadcast %mul3A : f32 to vector<8192x128xf32>
      %mul3A_245 = arith.mulf %mul3A_244, %dot_general3A_240 : vector<8192x128xf32>
      %swap3A_246 = arith.constant 0 : index
      %swap3A_247 = arith.constant 0 : index
      %swap3A_248 = vector.load %arg6[%swap3A_246, %swap3A_247] : memref<8192x128xf32, #tpu.memory_space<vmem>>, vector<8192x128xf32>
      tpu.vector_store %arg6[%swap3A_246, %swap3A_247], %mul3A_245 {strides = array<i32>} : memref<8192x128xf32, #tpu.memory_space<vmem>>, vector<8192x128xf32>,
      %mul3A_249 = arith.mulf %dot_general3A_240, %dot_general3A_240 : vector<8192x128xf32>
      %reduce_sum3A = arith.constant dense<0.000000e+00> : vector<8192xf32>
      %reduce_sum3A_250 = vector.multi_reduction <add>, %mul3A_249, %reduce_sum3A [1] : vector<8192x128xf32> to vector<8192xf32>
      %broadcast_in_dim3A_251 = vector.shape_cast %reduce_sum3A_250 : vector<8192xf32> to vector<8192x1xf32>
      %swap3A_252 = arith.constant 0 : index
      %swap3A_253 = arith.constant 0 : index
      %swap3A_254 = vector.load %arg7[%swap3A_252, %swap3A_253] : memref<8192x1xf32, #tpu.memory_space<vmem>>, vector<8192x1xf32>
      tpu.vector_store %arg7[%swap3A_252, %swap3A_253], %broadcast_in_dim3A_251 {strides = array<i32>} : memref<8192x1xf32, #tpu.memory_space<vmem>>, vector<8192x1xf32>,
    } else {
    }
    %get3A = arith.constant 0 : index
    %get3A_2 = arith.constant 0 : index
    %get3A_3 = vector.load %arg1[%get3A, %get3A_2] : memref<2048x32xf32, #tpu.memory_space<vmem>>, vector<2048x32xf32>
    %broadcast_in_dim3A = arith.constant 0.000000e+00 : f32
    %broadcast_in_dim3A_4 = vector.broadcast %broadcast_in_dim3A : f32 to vector<2048x96xf32>
    %concatenate3A = tpu.concatenate %get3A_3, %broadcast_in_dim3A_4 in 1 : vector<2048x32xf32>, vector<2048x96xf32> -> vector<2048x128xf32>
    %broadcast_in_dim3A_5 = arith.constant 0x7F800000 : f32
    %broadcast_in_dim3A_6 = vector.broadcast %broadcast_in_dim3A_5 : f32 to vector<1x2048xf32>
    %broadcast_in_dim3A_7 = arith.constant 0 : i32
    %broadcast_in_dim3A_8 = vector.broadcast %broadcast_in_dim3A_7 : i32 to vector<1x2048xi32>
    %iota3A = tpu.iota {dimensions = array<i32: 0>} : vector<1024x2048xi32>
    %convert_element_type3A_9 = arith.sitofp %iota3A : vector<1024x2048xi32> to vector<1024x2048xf32>
    %get3A_10 = arith.constant 0 : index
    %get3A_11 = arith.constant 0 : index
    %get3A_12 = vector.load %arg6[%get3A_10, %get3A_11] : memref<8192x128xf32, #tpu.memory_space<vmem>>, vector<1024x128xf32>
    %dot_general3A = arith.constant dense<0.000000e+00> : vector<1024x2048xf32>
    %dot_general3A_13 = tpu.matmul %get3A_12, %concatenate3A, %dot_general3A {dimension_numbers = #tpu.dot_dimension_numbers<[1], [1], [0], [0], [0, 0, 1, 0], [], []>, transpose_lhs_hint = false} : vector<1024x128xf32>, vector<2048x128xf32>, vector<1024x2048xf32> -> vector<1024x2048xf32>
    %get3A_14 = arith.constant 0 : index
    %get3A_15 = arith.constant 0 : index
    %get3A_16 = vector.load %arg7[%get3A_14, %get3A_15] : memref<8192x1xf32, #tpu.memory_space<vmem>>, vector<1024x1xf32>
    %add3A = vector.broadcast %get3A_16 : vector<1024x1xf32> to vector<1024x2048xf32>
    %add3A_17 = arith.addf %dot_general3A_13, %add3A : vector<1024x2048xf32>
    %reduce_min3A = arith.constant dense<0x7F800000> : vector<2048xf32>
    %reduce_min3A_18 = vector.multi_reduction <minimumf>, %add3A_17, %reduce_min3A [0] : vector<1024x2048xf32> to vector<2048xf32>
    %broadcast_in_dim3A_19 = vector.shape_cast %reduce_min3A_18 : vector<2048xf32> to vector<1x2048xf32>
    %eq3A_20 = vector.broadcast %broadcast_in_dim3A_19 : vector<1x2048xf32> to vector<1024x2048xf32>
    %eq3A_21 = arith.cmpf oeq, %add3A_17, %eq3A_20 : vector<1024x2048xf32>
    %jit3A = arith.constant 8.192000e+03 : f32
    %broadcast_in_dim3A_22 = vector.broadcast %jit3A : f32 to vector<1024x2048xf32>
    %select_n3A = arith.select %eq3A_21, %convert_element_type3A_9, %broadcast_in_dim3A_22 : vector<1024x2048xi1>, vector<1024x2048xf32>
    %reduce_min3A_23 = arith.constant dense<0x7F800000> : vector<2048xf32>
    %reduce_min3A_24 = vector.multi_reduction <minimumf>, %select_n3A, %reduce_min3A_23 [0] : vector<1024x2048xf32> to vector<2048xf32>
    %broadcast_in_dim3A_25 = vector.shape_cast %reduce_min3A_24 : vector<2048xf32> to vector<1x2048xf32>
    %convert_element_type3A_26 = arith.fptosi %broadcast_in_dim3A_25 : vector<1x2048xf32> to vector<1x2048xi32>
    %add3A_27 = arith.constant 0 : i32
    %add3A_28 = vector.broadcast %add3A_27 : i32 to vector<1x2048xi32>
    %add3A_29 = arith.addi %convert_element_type3A_26, %add3A_28 : vector<1x2048xi32>
    %lt3A = arith.cmpf olt, %broadcast_in_dim3A_19, %broadcast_in_dim3A_6 : vector<1x2048xf32>
    %select_n3A_30 = arith.select %lt3A, %add3A_29, %broadcast_in_dim3A_8 : vector<1x2048xi1>, vector<1x2048xi32>
    %select_n3A_31 = arith.select %lt3A, %broadcast_in_dim3A_19, %broadcast_in_dim3A_6 : vector<1x2048xi1>, vector<1x2048xf32>
    %get3A_32 = arith.constant 1024 : index
    %get3A_33 = arith.constant 0 : index
    %get3A_34 = vector.load %arg6[%get3A_32, %get3A_33] : memref<8192x128xf32, #tpu.memory_space<vmem>>, vector<1024x128xf32>
    %dot_general3A_35 = arith.constant dense<0.000000e+00> : vector<1024x2048xf32>
    %dot_general3A_36 = tpu.matmul %get3A_34, %concatenate3A, %dot_general3A_35 {dimension_numbers = #tpu.dot_dimension_numbers<[1], [1], [0], [0], [0, 0, 1, 0], [], []>, transpose_lhs_hint = false} : vector<1024x128xf32>, vector<2048x128xf32>, vector<1024x2048xf32> -> vector<1024x2048xf32>
    %get3A_37 = arith.constant 1024 : index
    %get3A_38 = arith.constant 0 : index
    %get3A_39 = vector.load %arg7[%get3A_37, %get3A_38] : memref<8192x1xf32, #tpu.memory_space<vmem>>, vector<1024x1xf32>
    %add3A_40 = vector.broadcast %get3A_39 : vector<1024x1xf32> to vector<1024x2048xf32>
    %add3A_41 = arith.addf %dot_general3A_36, %add3A_40 : vector<1024x2048xf32>
    %reduce_min3A_42 = arith.constant dense<0x7F800000> : vector<2048xf32>
    %reduce_min3A_43 = vector.multi_reduction <minimumf>, %add3A_41, %reduce_min3A_42 [0] : vector<1024x2048xf32> to vector<2048xf32>
    %broadcast_in_dim3A_44 = vector.shape_cast %reduce_min3A_43 : vector<2048xf32> to vector<1x2048xf32>
    %eq3A_45 = vector.broadcast %broadcast_in_dim3A_44 : vector<1x2048xf32> to vector<1024x2048xf32>
    %eq3A_46 = arith.cmpf oeq, %add3A_41, %eq3A_45 : vector<1024x2048xf32>
    %jit3A_47 = arith.constant 8.192000e+03 : f32
    %broadcast_in_dim3A_48 = vector.broadcast %jit3A_47 : f32 to vector<1024x2048xf32>
    %select_n3A_49 = arith.select %eq3A_46, %convert_element_type3A_9, %broadcast_in_dim3A_48 : vector<1024x2048xi1>, vector<1024x2048xf32>
    %reduce_min3A_50 = arith.constant dense<0x7F800000> : vector<2048xf32>
    %reduce_min3A_51 = vector.multi_reduction <minimumf>, %select_n3A_49, %reduce_min3A_50 [0] : vector<1024x2048xf32> to vector<2048xf32>
    %broadcast_in_dim3A_52 = vector.shape_cast %reduce_min3A_51 : vector<2048xf32> to vector<1x2048xf32>
    %convert_element_type3A_53 = arith.fptosi %broadcast_in_dim3A_52 : vector<1x2048xf32> to vector<1x2048xi32>
    %add3A_54 = arith.constant 1024 : i32
    %add3A_55 = vector.broadcast %add3A_54 : i32 to vector<1x2048xi32>
    %add3A_56 = arith.addi %convert_element_type3A_53, %add3A_55 : vector<1x2048xi32>
    %lt3A_57 = arith.cmpf olt, %broadcast_in_dim3A_44, %select_n3A_31 : vector<1x2048xf32>
    %select_n3A_58 = arith.select %lt3A_57, %add3A_56, %select_n3A_30 : vector<1x2048xi1>, vector<1x2048xi32>
    %select_n3A_59 = arith.select %lt3A_57, %broadcast_in_dim3A_44, %select_n3A_31 : vector<1x2048xi1>, vector<1x2048xf32>
    %get3A_60 = arith.constant 2048 : index
    %get3A_61 = arith.constant 0 : index
    %get3A_62 = vector.load %arg6[%get3A_60, %get3A_61] : memref<8192x128xf32, #tpu.memory_space<vmem>>, vector<1024x128xf32>
    %dot_general3A_63 = arith.constant dense<0.000000e+00> : vector<1024x2048xf32>
    %dot_general3A_64 = tpu.matmul %get3A_62, %concatenate3A, %dot_general3A_63 {dimension_numbers = #tpu.dot_dimension_numbers<[1], [1], [0], [0], [0, 0, 1, 0], [], []>, transpose_lhs_hint = false} : vector<1024x128xf32>, vector<2048x128xf32>, vector<1024x2048xf32> -> vector<1024x2048xf32>
    %get3A_65 = arith.constant 2048 : index
    %get3A_66 = arith.constant 0 : index
    %get3A_67 = vector.load %arg7[%get3A_65, %get3A_66] : memref<8192x1xf32, #tpu.memory_space<vmem>>, vector<1024x1xf32>
    %add3A_68 = vector.broadcast %get3A_67 : vector<1024x1xf32> to vector<1024x2048xf32>
    %add3A_69 = arith.addf %dot_general3A_64, %add3A_68 : vector<1024x2048xf32>
    %reduce_min3A_70 = arith.constant dense<0x7F800000> : vector<2048xf32>
    %reduce_min3A_71 = vector.multi_reduction <minimumf>, %add3A_69, %reduce_min3A_70 [0] : vector<1024x2048xf32> to vector<2048xf32>
    %broadcast_in_dim3A_72 = vector.shape_cast %reduce_min3A_71 : vector<2048xf32> to vector<1x2048xf32>
    %eq3A_73 = vector.broadcast %broadcast_in_dim3A_72 : vector<1x2048xf32> to vector<1024x2048xf32>
    %eq3A_74 = arith.cmpf oeq, %add3A_69, %eq3A_73 : vector<1024x2048xf32>
    %jit3A_75 = arith.constant 8.192000e+03 : f32
    %broadcast_in_dim3A_76 = vector.broadcast %jit3A_75 : f32 to vector<1024x2048xf32>
    %select_n3A_77 = arith.select %eq3A_74, %convert_element_type3A_9, %broadcast_in_dim3A_76 : vector<1024x2048xi1>, vector<1024x2048xf32>
    %reduce_min3A_78 = arith.constant dense<0x7F800000> : vector<2048xf32>
    %reduce_min3A_79 = vector.multi_reduction <minimumf>, %select_n3A_77, %reduce_min3A_78 [0] : vector<1024x2048xf32> to vector<2048xf32>
    %broadcast_in_dim3A_80 = vector.shape_cast %reduce_min3A_79 : vector<2048xf32> to vector<1x2048xf32>
    %convert_element_type3A_81 = arith.fptosi %broadcast_in_dim3A_80 : vector<1x2048xf32> to vector<1x2048xi32>
    %add3A_82 = arith.constant 2048 : i32
    %add3A_83 = vector.broadcast %add3A_82 : i32 to vector<1x2048xi32>
    %add3A_84 = arith.addi %convert_element_type3A_81, %add3A_83 : vector<1x2048xi32>
    %lt3A_85 = arith.cmpf olt, %broadcast_in_dim3A_72, %select_n3A_59 : vector<1x2048xf32>
    %select_n3A_86 = arith.select %lt3A_85, %add3A_84, %select_n3A_58 : vector<1x2048xi1>, vector<1x2048xi32>
    %select_n3A_87 = arith.select %lt3A_85, %broadcast_in_dim3A_72, %select_n3A_59 : vector<1x2048xi1>, vector<1x2048xf32>
    %get3A_88 = arith.constant 3072 : index
    %get3A_89 = arith.constant 0 : index
    %get3A_90 = vector.load %arg6[%get3A_88, %get3A_89] : memref<8192x128xf32, #tpu.memory_space<vmem>>, vector<1024x128xf32>
    %dot_general3A_91 = arith.constant dense<0.000000e+00> : vector<1024x2048xf32>
    %dot_general3A_92 = tpu.matmul %get3A_90, %concatenate3A, %dot_general3A_91 {dimension_numbers = #tpu.dot_dimension_numbers<[1], [1], [0], [0], [0, 0, 1, 0], [], []>, transpose_lhs_hint = false} : vector<1024x128xf32>, vector<2048x128xf32>, vector<1024x2048xf32> -> vector<1024x2048xf32>
    %get3A_93 = arith.constant 3072 : index
    %get3A_94 = arith.constant 0 : index
    %get3A_95 = vector.load %arg7[%get3A_93, %get3A_94] : memref<8192x1xf32, #tpu.memory_space<vmem>>, vector<1024x1xf32>
    %add3A_96 = vector.broadcast %get3A_95 : vector<1024x1xf32> to vector<1024x2048xf32>
    %add3A_97 = arith.addf %dot_general3A_92, %add3A_96 : vector<1024x2048xf32>
    %reduce_min3A_98 = arith.constant dense<0x7F800000> : vector<2048xf32>
    %reduce_min3A_99 = vector.multi_reduction <minimumf>, %add3A_97, %reduce_min3A_98 [0] : vector<1024x2048xf32> to vector<2048xf32>
    %broadcast_in_dim3A_100 = vector.shape_cast %reduce_min3A_99 : vector<2048xf32> to vector<1x2048xf32>
    %eq3A_101 = vector.broadcast %broadcast_in_dim3A_100 : vector<1x2048xf32> to vector<1024x2048xf32>
    %eq3A_102 = arith.cmpf oeq, %add3A_97, %eq3A_101 : vector<1024x2048xf32>
    %jit3A_103 = arith.constant 8.192000e+03 : f32
    %broadcast_in_dim3A_104 = vector.broadcast %jit3A_103 : f32 to vector<1024x2048xf32>
    %select_n3A_105 = arith.select %eq3A_102, %convert_element_type3A_9, %broadcast_in_dim3A_104 : vector<1024x2048xi1>, vector<1024x2048xf32>
    %reduce_min3A_106 = arith.constant dense<0x7F800000> : vector<2048xf32>
    %reduce_min3A_107 = vector.multi_reduction <minimumf>, %select_n3A_105, %reduce_min3A_106 [0] : vector<1024x2048xf32> to vector<2048xf32>
    %broadcast_in_dim3A_108 = vector.shape_cast %reduce_min3A_107 : vector<2048xf32> to vector<1x2048xf32>
    %convert_element_type3A_109 = arith.fptosi %broadcast_in_dim3A_108 : vector<1x2048xf32> to vector<1x2048xi32>
    %add3A_110 = arith.constant 3072 : i32
    %add3A_111 = vector.broadcast %add3A_110 : i32 to vector<1x2048xi32>
    %add3A_112 = arith.addi %convert_element_type3A_109, %add3A_111 : vector<1x2048xi32>
    %lt3A_113 = arith.cmpf olt, %broadcast_in_dim3A_100, %select_n3A_87 : vector<1x2048xf32>
    %select_n3A_114 = arith.select %lt3A_113, %add3A_112, %select_n3A_86 : vector<1x2048xi1>, vector<1x2048xi32>
    %select_n3A_115 = arith.select %lt3A_113, %broadcast_in_dim3A_100, %select_n3A_87 : vector<1x2048xi1>, vector<1x2048xf32>
    %get3A_116 = arith.constant 4096 : index
    %get3A_117 = arith.constant 0 : index
    %get3A_118 = vector.load %arg6[%get3A_116, %get3A_117] : memref<8192x128xf32, #tpu.memory_space<vmem>>, vector<1024x128xf32>
    %dot_general3A_119 = arith.constant dense<0.000000e+00> : vector<1024x2048xf32>
    %dot_general3A_120 = tpu.matmul %get3A_118, %concatenate3A, %dot_general3A_119 {dimension_numbers = #tpu.dot_dimension_numbers<[1], [1], [0], [0], [0, 0, 1, 0], [], []>, transpose_lhs_hint = false} : vector<1024x128xf32>, vector<2048x128xf32>, vector<1024x2048xf32> -> vector<1024x2048xf32>
    %get3A_121 = arith.constant 4096 : index
    %get3A_122 = arith.constant 0 : index
    %get3A_123 = vector.load %arg7[%get3A_121, %get3A_122] : memref<8192x1xf32, #tpu.memory_space<vmem>>, vector<1024x1xf32>
    %add3A_124 = vector.broadcast %get3A_123 : vector<1024x1xf32> to vector<1024x2048xf32>
    %add3A_125 = arith.addf %dot_general3A_120, %add3A_124 : vector<1024x2048xf32>
    %reduce_min3A_126 = arith.constant dense<0x7F800000> : vector<2048xf32>
    %reduce_min3A_127 = vector.multi_reduction <minimumf>, %add3A_125, %reduce_min3A_126 [0] : vector<1024x2048xf32> to vector<2048xf32>
    %broadcast_in_dim3A_128 = vector.shape_cast %reduce_min3A_127 : vector<2048xf32> to vector<1x2048xf32>
    %eq3A_129 = vector.broadcast %broadcast_in_dim3A_128 : vector<1x2048xf32> to vector<1024x2048xf32>
    %eq3A_130 = arith.cmpf oeq, %add3A_125, %eq3A_129 : vector<1024x2048xf32>
    %jit3A_131 = arith.constant 8.192000e+03 : f32
    %broadcast_in_dim3A_132 = vector.broadcast %jit3A_131 : f32 to vector<1024x2048xf32>
    %select_n3A_133 = arith.select %eq3A_130, %convert_element_type3A_9, %broadcast_in_dim3A_132 : vector<1024x2048xi1>, vector<1024x2048xf32>
    %reduce_min3A_134 = arith.constant dense<0x7F800000> : vector<2048xf32>
    %reduce_min3A_135 = vector.multi_reduction <minimumf>, %select_n3A_133, %reduce_min3A_134 [0] : vector<1024x2048xf32> to vector<2048xf32>
    %broadcast_in_dim3A_136 = vector.shape_cast %reduce_min3A_135 : vector<2048xf32> to vector<1x2048xf32>
    %convert_element_type3A_137 = arith.fptosi %broadcast_in_dim3A_136 : vector<1x2048xf32> to vector<1x2048xi32>
    %add3A_138 = arith.constant 4096 : i32
    %add3A_139 = vector.broadcast %add3A_138 : i32 to vector<1x2048xi32>
    %add3A_140 = arith.addi %convert_element_type3A_137, %add3A_139 : vector<1x2048xi32>
    %lt3A_141 = arith.cmpf olt, %broadcast_in_dim3A_128, %select_n3A_115 : vector<1x2048xf32>
    %select_n3A_142 = arith.select %lt3A_141, %add3A_140, %select_n3A_114 : vector<1x2048xi1>, vector<1x2048xi32>
    %select_n3A_143 = arith.select %lt3A_141, %broadcast_in_dim3A_128, %select_n3A_115 : vector<1x2048xi1>, vector<1x2048xf32>
    %get3A_144 = arith.constant 5120 : index
    %get3A_145 = arith.constant 0 : index
    %get3A_146 = vector.load %arg6[%get3A_144, %get3A_145] : memref<8192x128xf32, #tpu.memory_space<vmem>>, vector<1024x128xf32>
    %dot_general3A_147 = arith.constant dense<0.000000e+00> : vector<1024x2048xf32>
    %dot_general3A_148 = tpu.matmul %get3A_146, %concatenate3A, %dot_general3A_147 {dimension_numbers = #tpu.dot_dimension_numbers<[1], [1], [0], [0], [0, 0, 1, 0], [], []>, transpose_lhs_hint = false} : vector<1024x128xf32>, vector<2048x128xf32>, vector<1024x2048xf32> -> vector<1024x2048xf32>
    %get3A_149 = arith.constant 5120 : index
    %get3A_150 = arith.constant 0 : index
    %get3A_151 = vector.load %arg7[%get3A_149, %get3A_150] : memref<8192x1xf32, #tpu.memory_space<vmem>>, vector<1024x1xf32>
    %add3A_152 = vector.broadcast %get3A_151 : vector<1024x1xf32> to vector<1024x2048xf32>
    %add3A_153 = arith.addf %dot_general3A_148, %add3A_152 : vector<1024x2048xf32>
    %reduce_min3A_154 = arith.constant dense<0x7F800000> : vector<2048xf32>
    %reduce_min3A_155 = vector.multi_reduction <minimumf>, %add3A_153, %reduce_min3A_154 [0] : vector<1024x2048xf32> to vector<2048xf32>
    %broadcast_in_dim3A_156 = vector.shape_cast %reduce_min3A_155 : vector<2048xf32> to vector<1x2048xf32>
    %eq3A_157 = vector.broadcast %broadcast_in_dim3A_156 : vector<1x2048xf32> to vector<1024x2048xf32>
    %eq3A_158 = arith.cmpf oeq, %add3A_153, %eq3A_157 : vector<1024x2048xf32>
    %jit3A_159 = arith.constant 8.192000e+03 : f32
    %broadcast_in_dim3A_160 = vector.broadcast %jit3A_159 : f32 to vector<1024x2048xf32>
    %select_n3A_161 = arith.select %eq3A_158, %convert_element_type3A_9, %broadcast_in_dim3A_160 : vector<1024x2048xi1>, vector<1024x2048xf32>
    %reduce_min3A_162 = arith.constant dense<0x7F800000> : vector<2048xf32>
    %reduce_min3A_163 = vector.multi_reduction <minimumf>, %select_n3A_161, %reduce_min3A_162 [0] : vector<1024x2048xf32> to vector<2048xf32>
    %broadcast_in_dim3A_164 = vector.shape_cast %reduce_min3A_163 : vector<2048xf32> to vector<1x2048xf32>
    %convert_element_type3A_165 = arith.fptosi %broadcast_in_dim3A_164 : vector<1x2048xf32> to vector<1x2048xi32>
    %add3A_166 = arith.constant 5120 : i32
    %add3A_167 = vector.broadcast %add3A_166 : i32 to vector<1x2048xi32>
    %add3A_168 = arith.addi %convert_element_type3A_165, %add3A_167 : vector<1x2048xi32>
    %lt3A_169 = arith.cmpf olt, %broadcast_in_dim3A_156, %select_n3A_143 : vector<1x2048xf32>
    %select_n3A_170 = arith.select %lt3A_169, %add3A_168, %select_n3A_142 : vector<1x2048xi1>, vector<1x2048xi32>
    %select_n3A_171 = arith.select %lt3A_169, %broadcast_in_dim3A_156, %select_n3A_143 : vector<1x2048xi1>, vector<1x2048xf32>
    %get3A_172 = arith.constant 6144 : index
    %get3A_173 = arith.constant 0 : index
    %get3A_174 = vector.load %arg6[%get3A_172, %get3A_173] : memref<8192x128xf32, #tpu.memory_space<vmem>>, vector<1024x128xf32>
    %dot_general3A_175 = arith.constant dense<0.000000e+00> : vector<1024x2048xf32>
    %dot_general3A_176 = tpu.matmul %get3A_174, %concatenate3A, %dot_general3A_175 {dimension_numbers = #tpu.dot_dimension_numbers<[1], [1], [0], [0], [0, 0, 1, 0], [], []>, transpose_lhs_hint = false} : vector<1024x128xf32>, vector<2048x128xf32>, vector<1024x2048xf32> -> vector<1024x2048xf32>
    %get3A_177 = arith.constant 6144 : index
    %get3A_178 = arith.constant 0 : index
    %get3A_179 = vector.load %arg7[%get3A_177, %get3A_178] : memref<8192x1xf32, #tpu.memory_space<vmem>>, vector<1024x1xf32>
    %add3A_180 = vector.broadcast %get3A_179 : vector<1024x1xf32> to vector<1024x2048xf32>
    %add3A_181 = arith.addf %dot_general3A_176, %add3A_180 : vector<1024x2048xf32>
    %reduce_min3A_182 = arith.constant dense<0x7F800000> : vector<2048xf32>
    %reduce_min3A_183 = vector.multi_reduction <minimumf>, %add3A_181, %reduce_min3A_182 [0] : vector<1024x2048xf32> to vector<2048xf32>
    %broadcast_in_dim3A_184 = vector.shape_cast %reduce_min3A_183 : vector<2048xf32> to vector<1x2048xf32>
    %eq3A_185 = vector.broadcast %broadcast_in_dim3A_184 : vector<1x2048xf32> to vector<1024x2048xf32>
    %eq3A_186 = arith.cmpf oeq, %add3A_181, %eq3A_185 : vector<1024x2048xf32>
    %jit3A_187 = arith.constant 8.192000e+03 : f32
    %broadcast_in_dim3A_188 = vector.broadcast %jit3A_187 : f32 to vector<1024x2048xf32>
    %select_n3A_189 = arith.select %eq3A_186, %convert_element_type3A_9, %broadcast_in_dim3A_188 : vector<1024x2048xi1>, vector<1024x2048xf32>
    %reduce_min3A_190 = arith.constant dense<0x7F800000> : vector<2048xf32>
    %reduce_min3A_191 = vector.multi_reduction <minimumf>, %select_n3A_189, %reduce_min3A_190 [0] : vector<1024x2048xf32> to vector<2048xf32>
    %broadcast_in_dim3A_192 = vector.shape_cast %reduce_min3A_191 : vector<2048xf32> to vector<1x2048xf32>
    %convert_element_type3A_193 = arith.fptosi %broadcast_in_dim3A_192 : vector<1x2048xf32> to vector<1x2048xi32>
    %add3A_194 = arith.constant 6144 : i32
    %add3A_195 = vector.broadcast %add3A_194 : i32 to vector<1x2048xi32>
    %add3A_196 = arith.addi %convert_element_type3A_193, %add3A_195 : vector<1x2048xi32>
    %lt3A_197 = arith.cmpf olt, %broadcast_in_dim3A_184, %select_n3A_171 : vector<1x2048xf32>
    %select_n3A_198 = arith.select %lt3A_197, %add3A_196, %select_n3A_170 : vector<1x2048xi1>, vector<1x2048xi32>
    %select_n3A_199 = arith.select %lt3A_197, %broadcast_in_dim3A_184, %select_n3A_171 : vector<1x2048xi1>, vector<1x2048xf32>
    %get3A_200 = arith.constant 7168 : index
    %get3A_201 = arith.constant 0 : index
    %get3A_202 = vector.load %arg6[%get3A_200, %get3A_201] : memref<8192x128xf32, #tpu.memory_space<vmem>>, vector<1024x128xf32>
    %dot_general3A_203 = arith.constant dense<0.000000e+00> : vector<1024x2048xf32>
    %dot_general3A_204 = tpu.matmul %get3A_202, %concatenate3A, %dot_general3A_203 {dimension_numbers = #tpu.dot_dimension_numbers<[1], [1], [0], [0], [0, 0, 1, 0], [], []>, transpose_lhs_hint = false} : vector<1024x128xf32>, vector<2048x128xf32>, vector<1024x2048xf32> -> vector<1024x2048xf32>
    %get3A_205 = arith.constant 7168 : index
    %get3A_206 = arith.constant 0 : index
    %get3A_207 = vector.load %arg7[%get3A_205, %get3A_206] : memref<8192x1xf32, #tpu.memory_space<vmem>>, vector<1024x1xf32>
    %add3A_208 = vector.broadcast %get3A_207 : vector<1024x1xf32> to vector<1024x2048xf32>
    %add3A_209 = arith.addf %dot_general3A_204, %add3A_208 : vector<1024x2048xf32>
    %reduce_min3A_210 = arith.constant dense<0x7F800000> : vector<2048xf32>
    %reduce_min3A_211 = vector.multi_reduction <minimumf>, %add3A_209, %reduce_min3A_210 [0] : vector<1024x2048xf32> to vector<2048xf32>
    %broadcast_in_dim3A_212 = vector.shape_cast %reduce_min3A_211 : vector<2048xf32> to vector<1x2048xf32>
    %eq3A_213 = vector.broadcast %broadcast_in_dim3A_212 : vector<1x2048xf32> to vector<1024x2048xf32>
    %eq3A_214 = arith.cmpf oeq, %add3A_209, %eq3A_213 : vector<1024x2048xf32>
    %jit3A_215 = arith.constant 8.192000e+03 : f32
    %broadcast_in_dim3A_216 = vector.broadcast %jit3A_215 : f32 to vector<1024x2048xf32>
    %select_n3A_217 = arith.select %eq3A_214, %convert_element_type3A_9, %broadcast_in_dim3A_216 : vector<1024x2048xi1>, vector<1024x2048xf32>
    %reduce_min3A_218 = arith.constant dense<0x7F800000> : vector<2048xf32>
    %reduce_min3A_219 = vector.multi_reduction <minimumf>, %select_n3A_217, %reduce_min3A_218 [0] : vector<1024x2048xf32> to vector<2048xf32>
    %broadcast_in_dim3A_220 = vector.shape_cast %reduce_min3A_219 : vector<2048xf32> to vector<1x2048xf32>
    %convert_element_type3A_221 = arith.fptosi %broadcast_in_dim3A_220 : vector<1x2048xf32> to vector<1x2048xi32>
    %add3A_222 = arith.constant 7168 : i32
    %add3A_223 = vector.broadcast %add3A_222 : i32 to vector<1x2048xi32>
    %add3A_224 = arith.addi %convert_element_type3A_221, %add3A_223 : vector<1x2048xi32>
    %lt3A_225 = arith.cmpf olt, %broadcast_in_dim3A_212, %select_n3A_199 : vector<1x2048xf32>
    %select_n3A_226 = arith.select %lt3A_225, %add3A_224, %select_n3A_198 : vector<1x2048xi1>, vector<1x2048xi32>
    %reshape3A = vector.shape_cast %select_n3A_226 : vector<1x2048xi32> to vector<1x1x2048xi32>
    %swap3A = arith.constant 0 : index
    %swap3A_227 = arith.constant 0 : index
    %swap3A_228 = arith.constant 0 : index
    %swap3A_229 = vector.load %arg4[%swap3A, %swap3A_227, %swap3A_228] : memref<1x1x2048xi32, #tpu.memory_space<vmem>>, vector<1x1x2048xi32>
    tpu.vector_store %arg4[%swap3A, %swap3A_227, %swap3A_228], %reshape3A {strides = array<i32>} : memref<1x1x2048xi32, #tpu.memory_space<vmem>>, vector<1x1x2048xi32>,
    return
  }
  func.func @transform_0(%arg0: i32) -> (i32, i32) {
    %c0_i32 = arith.constant 0 : i32
    %c0_i32_0 = arith.constant 0 : i32
    return %arg0, %c0_i32 : i32, i32
  }
  func.func @transform_1(%arg0: i32) -> (i32, i32) {
    %c0_i32 = arith.constant 0 : i32
    %c0_i32_0 = arith.constant 0 : i32
    %c0_i32_1 = arith.constant 0 : i32
    return %c0_i32, %c0_i32_0 : i32, i32
  }
  func.func @transform_2(%arg0: i32) -> (i32, i32) {
    %c0_i32 = arith.constant 0 : i32
    %c0_i32_0 = arith.constant 0 : i32
    %c0_i32_1 = arith.constant 0 : i32
    return %c0_i32, %c0_i32_0 : i32, i32
  }
  func.func @transform_3(%arg0: i32) -> (i32, i32, i32) {
    %c0_i32 = arith.constant 0 : i32
    %c0_i32_0 = arith.constant 0 : i32
    %c0_i32_1 = arith.constant 0 : i32
    return %arg0, %c0_i32, %c0_i32_0 : i32, i32, i32
  }
  func.func @transform_4(%arg0: i32) -> (i32, i32) {
    %c0_i32 = arith.constant 0 : i32
    %c0_i32_0 = arith.constant 0 : i32
    %c0_i32_1 = arith.constant 0 : i32
    return %c0_i32, %c0_i32_0 : i32, i32
  }
}

module attributes {stable_mosaic.version = 14 : i64} {
  func.func @_rot_body(%arg0: i32, %arg1: memref<2048x32xf32, #tpu.memory_space<vmem>>, %arg2: memref<2048x128xf32, #tpu.memory_space<vmem>>, %arg3: memref<2048x32xf32, #tpu.memory_space<vmem>>, %arg4: memref<1x1xf32, #tpu.memory_space<smem>>) attributes {dimension_semantics = [#tpu.dimension_semantics<arbitrary>], iteration_bounds = array<i64: 8>, scalar_prefetch = 0 : i64, scratch_operands = 0 : i64, tpu.core_type = #tpu.core_type<tc>, window_params = [{transform_indices = @transform_0, window_bounds = array<i64: 2048, 32>}, {transform_indices = @transform_1, window_bounds = array<i64: 2048, 128>}, {transform_indices = @transform_2, window_bounds = array<i64: 2048, 32>}, {transform_indices = @transform_3, window_bounds = array<i64: 1, 1>}]} {
    %get3A = arith.constant 0 : index
    %get3A_0 = arith.constant 0 : index
    %get3A_1 = vector.load %arg1[%get3A, %get3A_0] : memref<2048x32xf32, #tpu.memory_space<vmem>>, vector<2048x32xf32>
    %get3A_2 = arith.constant 0 : index
    %get3A_3 = arith.constant 0 : index
    %get3A_4 = vector.load %arg2[%get3A_2, %get3A_3] : memref<2048x128xf32, #tpu.memory_space<vmem>>, vector<2048x128xf32>
    %slice3A = vector.extract_strided_slice %get3A_4 {offsets = [0, 0], sizes = [2048, 32], strides = [1, 1]} : vector<2048x128xf32> to vector<2048x32xf32>
    %sub3A = arith.subf %get3A_1, %slice3A : vector<2048x32xf32>
    %add3A = arith.constant 9.99999997E-7 : f32
    %add3A_5 = vector.broadcast %add3A : f32 to vector<2048x32xf32>
    %add3A_6 = arith.addf %sub3A, %add3A_5 : vector<2048x32xf32>
    %mul3A = arith.mulf %add3A_6, %add3A_6 : vector<2048x32xf32>
    %reduce_sum3A = vector.shape_cast %mul3A : vector<2048x32xf32> to vector<1x2048x32xf32>
    %reduce_sum3A_7 = arith.constant dense<0.000000e+00> : vector<1xf32>
    %reduce_sum3A_8 = vector.multi_reduction <add>, %reduce_sum3A, %reduce_sum3A_7 [1, 2] : vector<1x2048x32xf32> to vector<1xf32>
    %reduce_sum3A_9 = vector.shape_cast %reduce_sum3A_8 : vector<1xf32> to vector<1x1x1xf32>
    %reduce_sum3A_10 = vector.extract %reduce_sum3A_9[0, 0, 0] : f32 from vector<1x1x1xf32>
    %eq3A = arith.constant 0 : i32
    %eq3A_11 = arith.cmpi eq, %arg0, %eq3A : i32
    %convert_element_type3A = arith.extui %eq3A_11 : i1 to i32
    %cond3A = arith.constant 0 : i32
    %cond3A_12 = arith.cmpi ne, %convert_element_type3A, %cond3A : i32
    scf.if %cond3A_12 {
      %swap3A_86 = arith.constant 0.000000e+00 : f32
      %swap3A_87 = arith.constant 0 : index
      %swap3A_88 = arith.constant 0 : index
      %swap3A_89 = memref.load %arg4[%swap3A_87, %swap3A_88] : memref<1x1xf32, #tpu.memory_space<smem>>
      memref.store %swap3A_86, %arg4[%swap3A_87, %swap3A_88] : memref<1x1xf32, #tpu.memory_space<smem>>
    } else {
    }
    %get3A_13 = arith.constant 0 : index
    %get3A_14 = arith.constant 0 : index
    %get3A_15 = memref.load %arg4[%get3A_13, %get3A_14] : memref<1x1xf32, #tpu.memory_space<smem>>
    %add3A_16 = arith.addf %get3A_15, %reduce_sum3A_10 : f32
    %swap3A = arith.constant 0 : index
    %swap3A_17 = arith.constant 0 : index
    %swap3A_18 = memref.load %arg4[%swap3A, %swap3A_17] : memref<1x1xf32, #tpu.memory_space<smem>>
    memref.store %add3A_16, %arg4[%swap3A, %swap3A_17] : memref<1x1xf32, #tpu.memory_space<smem>>
    %eq3A_19 = arith.constant 7 : i32
    %eq3A_20 = arith.cmpi eq, %arg0, %eq3A_19 : i32
    %convert_element_type3A_21 = arith.extui %eq3A_20 : i1 to i32
    %cond3A_22 = arith.constant 0 : i32
    %cond3A_23 = arith.cmpi ne, %convert_element_type3A_21, %cond3A_22 : i32
    scf.if %cond3A_23 {
      %get3A_86 = arith.constant 0 : index
      %get3A_87 = arith.constant 0 : index
      %get3A_88 = memref.load %arg4[%get3A_86, %get3A_87] : memref<1x1xf32, #tpu.memory_space<smem>>
      %mul3A_89 = arith.constant 6.10351563E-5 : f32
      %mul3A_90 = arith.mulf %get3A_88, %mul3A_89 : f32
      %swap3A_91 = arith.constant 0 : index
      %swap3A_92 = arith.constant 0 : index
      %swap3A_93 = memref.load %arg4[%swap3A_91, %swap3A_92] : memref<1x1xf32, #tpu.memory_space<smem>>
      memref.store %mul3A_90, %arg4[%swap3A_91, %swap3A_92] : memref<1x1xf32, #tpu.memory_space<smem>>
    } else {
    }
    %mul3A_24 = arith.mulf %get3A_1, %get3A_1 : vector<2048x32xf32>
    %reduce_sum3A_25 = arith.constant dense<0.000000e+00> : vector<2048xf32>
    %reduce_sum3A_26 = vector.multi_reduction <add>, %mul3A_24, %reduce_sum3A_25 [1] : vector<2048x32xf32> to vector<2048xf32>
    %broadcast_in_dim3A = vector.shape_cast %reduce_sum3A_26 : vector<2048xf32> to vector<2048x1xf32>
    %sqrt3A = math.sqrt %broadcast_in_dim3A : vector<2048x1xf32>
    %mul3A_27 = arith.mulf %slice3A, %slice3A : vector<2048x32xf32>
    %reduce_sum3A_28 = arith.constant dense<0.000000e+00> : vector<2048xf32>
    %reduce_sum3A_29 = vector.multi_reduction <add>, %mul3A_27, %reduce_sum3A_28 [1] : vector<2048x32xf32> to vector<2048xf32>
    %broadcast_in_dim3A_30 = vector.shape_cast %reduce_sum3A_29 : vector<2048xf32> to vector<2048x1xf32>
    %sqrt3A_31 = math.sqrt %broadcast_in_dim3A_30 : vector<2048x1xf32>
    %max3A = arith.constant 9.99999997E-7 : f32
    %max3A_32 = vector.broadcast %max3A : f32 to vector<2048x1xf32>
    %max3A_33 = arith.maximumf %sqrt3A, %max3A_32 : vector<2048x1xf32>
    %div3A = arith.constant 1.000000e+00 : f32
    %div3A_34 = vector.broadcast %div3A : f32 to vector<2048x1xf32>
    %div3A_35 = arith.divf %div3A_34, %max3A_33 : vector<2048x1xf32>
    %max3A_36 = arith.constant 9.99999997E-7 : f32
    %max3A_37 = vector.broadcast %max3A_36 : f32 to vector<2048x1xf32>
    %max3A_38 = arith.maximumf %sqrt3A_31, %max3A_37 : vector<2048x1xf32>
    %div3A_39 = arith.constant 1.000000e+00 : f32
    %div3A_40 = vector.broadcast %div3A_39 : f32 to vector<2048x1xf32>
    %div3A_41 = arith.divf %div3A_40, %max3A_38 : vector<2048x1xf32>
    %mul3A_42 = vector.broadcast %div3A_35 : vector<2048x1xf32> to vector<2048x32xf32>
    %mul3A_43 = arith.mulf %get3A_1, %mul3A_42 : vector<2048x32xf32>
    %mul3A_44 = vector.broadcast %div3A_41 : vector<2048x1xf32> to vector<2048x32xf32>
    %mul3A_45 = arith.mulf %slice3A, %mul3A_44 : vector<2048x32xf32>
    %add3A_46 = arith.addf %mul3A_43, %mul3A_45 : vector<2048x32xf32>
    %mul3A_47 = arith.mulf %add3A_46, %add3A_46 : vector<2048x32xf32>
    %reduce_sum3A_48 = arith.constant dense<0.000000e+00> : vector<2048xf32>
    %reduce_sum3A_49 = vector.multi_reduction <add>, %mul3A_47, %reduce_sum3A_48 [1] : vector<2048x32xf32> to vector<2048xf32>
    %broadcast_in_dim3A_50 = vector.shape_cast %reduce_sum3A_49 : vector<2048xf32> to vector<2048x1xf32>
    %sqrt3A_51 = math.sqrt %broadcast_in_dim3A_50 : vector<2048x1xf32>
    %max3A_52 = arith.constant 9.99999996E-13 : f32
    %max3A_53 = vector.broadcast %max3A_52 : f32 to vector<2048x1xf32>
    %max3A_54 = arith.maximumf %sqrt3A_51, %max3A_53 : vector<2048x1xf32>
    %div3A_55 = arith.constant 1.000000e+00 : f32
    %div3A_56 = vector.broadcast %div3A_55 : f32 to vector<2048x1xf32>
    %div3A_57 = arith.divf %div3A_56, %max3A_54 : vector<2048x1xf32>
    %mul3A_58 = vector.broadcast %div3A_57 : vector<2048x1xf32> to vector<2048x32xf32>
    %mul3A_59 = arith.mulf %add3A_46, %mul3A_58 : vector<2048x32xf32>
    %mul3A_60 = arith.mulf %get3A_1, %mul3A_59 : vector<2048x32xf32>
    %reduce_sum3A_61 = arith.constant dense<0.000000e+00> : vector<2048xf32>
    %reduce_sum3A_62 = vector.multi_reduction <add>, %mul3A_60, %reduce_sum3A_61 [1] : vector<2048x32xf32> to vector<2048xf32>
    %broadcast_in_dim3A_63 = vector.shape_cast %reduce_sum3A_62 : vector<2048xf32> to vector<2048x1xf32>
    %mul3A_64 = arith.mulf %get3A_1, %mul3A_43 : vector<2048x32xf32>
    %reduce_sum3A_65 = arith.constant dense<0.000000e+00> : vector<2048xf32>
    %reduce_sum3A_66 = vector.multi_reduction <add>, %mul3A_64, %reduce_sum3A_65 [1] : vector<2048x32xf32> to vector<2048xf32>
    %broadcast_in_dim3A_67 = vector.shape_cast %reduce_sum3A_66 : vector<2048xf32> to vector<2048x1xf32>
    %mul3A_68 = arith.constant 2.000000e+00 : f32
    %mul3A_69 = vector.broadcast %mul3A_68 : f32 to vector<2048x1xf32>
    %mul3A_70 = arith.mulf %mul3A_69, %broadcast_in_dim3A_63 : vector<2048x1xf32>
    %mul3A_71 = vector.broadcast %mul3A_70 : vector<2048x1xf32> to vector<2048x32xf32>
    %mul3A_72 = arith.mulf %mul3A_71, %mul3A_59 : vector<2048x32xf32>
    %sub3A_73 = arith.subf %get3A_1, %mul3A_72 : vector<2048x32xf32>
    %mul3A_74 = arith.constant 2.000000e+00 : f32
    %mul3A_75 = vector.broadcast %mul3A_74 : f32 to vector<2048x1xf32>
    %mul3A_76 = arith.mulf %mul3A_75, %broadcast_in_dim3A_67 : vector<2048x1xf32>
    %mul3A_77 = vector.broadcast %mul3A_76 : vector<2048x1xf32> to vector<2048x32xf32>
    %mul3A_78 = arith.mulf %mul3A_77, %mul3A_45 : vector<2048x32xf32>
    %add3A_79 = arith.addf %sub3A_73, %mul3A_78 : vector<2048x32xf32>
    %mul3A_80 = arith.mulf %sqrt3A_31, %div3A_35 : vector<2048x1xf32>
    %mul3A_81 = vector.broadcast %mul3A_80 : vector<2048x1xf32> to vector<2048x32xf32>
    %mul3A_82 = arith.mulf %add3A_79, %mul3A_81 : vector<2048x32xf32>
    %swap3A_83 = arith.constant 0 : index
    %swap3A_84 = arith.constant 0 : index
    %swap3A_85 = vector.load %arg3[%swap3A_83, %swap3A_84] : memref<2048x32xf32, #tpu.memory_space<vmem>>, vector<2048x32xf32>
    tpu.vector_store %arg3[%swap3A_83, %swap3A_84], %mul3A_82 {strides = array<i32>} : memref<2048x32xf32, #tpu.memory_space<vmem>>, vector<2048x32xf32>,
    return
  }
  func.func @transform_0(%arg0: i32) -> (i32, i32) {
    %c0_i32 = arith.constant 0 : i32
    %c0_i32_0 = arith.constant 0 : i32
    return %arg0, %c0_i32 : i32, i32
  }
  func.func @transform_1(%arg0: i32) -> (i32, i32) {
    %c0_i32 = arith.constant 0 : i32
    %c0_i32_0 = arith.constant 0 : i32
    return %arg0, %c0_i32 : i32, i32
  }
  func.func @transform_2(%arg0: i32) -> (i32, i32) {
    %c0_i32 = arith.constant 0 : i32
    %c0_i32_0 = arith.constant 0 : i32
    return %arg0, %c0_i32 : i32, i32
  }
  func.func @transform_3(%arg0: i32) -> (i32, i32) {
    %c0_i32 = arith.constant 0 : i32
    %c0_i32_0 = arith.constant 0 : i32
    %c0_i32_1 = arith.constant 0 : i32
    return %c0_i32, %c0_i32_0 : i32, i32
  }
}

</mosaic_0001>

<sc_bundles>
// kernel: kernel.5.cloned.1.call-start
scs
__scs_entry_jumppad:
0x0: {  	(pc) =	sbr.rel $0x88, $3  }
0x1: {  	(tag) =	ssettag $0x0;
	lr =	simm.s32 $0x1  }
0x2: {  	[smem:$0x3F9E] =	sst lr;
	_ =	strace $0xD0000000  }
0x3: {  	_ = 	snop  }
0x4: {  	_ = 	snop  }
0x5: {  	_ = 	snop  }
0x6: {  	_ = 	snop  }
0x7: {  	_ = 	snop  }
__scs_overlays_trampoline_lowered:
0x8: {  	[smem:$0x3FAD] =	sst s0  }
0x9: {  	[smem:$0x3FAE] =	sst s1  }
0xa: {  	[smem:$0x3FAF] =	sst s2  }
0xb: {  	[smem:$0x3FB0] =	sst s3  }
0xc: {  	[smem:$0x3FB1] =	sst s4  }
0xd: {  	[smem:$0x3FB2] =	sst s5  }
0xe: {  	[smem:$0x3FB3] =	sst s6  }
0xf: {  	[smem:$0x3FB4] =	sst s7  }
0x10: {  	[smem:$0x3FB5] =	sst s8  }
0x11: {  	[smem:$0x3FB6] =	sst s9;
	s0 =	simm.s32 @!p0 $0x0  }
0x12: {  	s1 =	sld [smem:$0x3F9C];
	s0 =	simm.s32 @p0 $0x1  }
0x13: {  	[smem:$0x3FB7] =	sst s0;
	s0 =	simm.s32 @!p1 $0x0  }
0x14: {  	s2 =	sld [smem:$0x3F9B];
	s0 =	simm.s32 @p1 $0x1  }
0x15: {  	[smem:$0x3FB8] =	sst s0;
	s0 =	simm.s32 @!p2 $0x0  }
0x16: {  	s3 =	sld [smem:$0x3FDB];
	s0 =	simm.s32 @p2 $0x1  }
0x17: {  	s4 =	simm.s32 $0x1BF5;
	[smem:$0x3FBA] =	sst s0  }
0x18: {  	s0 =	sld [smem:$0x3F9D];
	_ =	swait.ge [sflag:s4], $0x0  }
0x19: {  	s7 =	sld [smem:$0x3F9E]  }
0x1a: {  	s8 =	sadd.s32 $0xFFFFE003, lr  }
0x1b: {  	s9 =	sadd.s32 $0xFFFFFEF7, lr;
	s5 =	simm.s32 $0xFFFFFFFF;
	p2 =	slt.u32 s8, $0xFFFFF086  }
0x1c: {  	p1 =	slt.u32 s9, $0xF7A;
	s5 =	simm.s32 @!p2 $0x0  }
0x1d: {  	s5 =	simm.s32 @p1 $0x1;
	p0 =	seq.s32 s7, s2  }
0x1e: {  	s7 =	smul.u32 @!p0 $0xF7A, s2;
	p2 =	seq.s32 @!p0 s5, $0x0  }
0x1f: {  	s9 =	smul.u32 $0xF7A, s1;
	s8 =	simm.s32 @!p0 $0x1BF5;
	p2 =	por !p2, p0  }
0x20: {  	[sflag:s8] =	ssyncset.s32 @!p0 $0xFFFFF086;
	s6 =	sadd.s32 @!p0 s3, s7;
	s7 =	simm.s32 @!p0 $0x108  }
0x21: {  	s3 =	sadd.s32 s3, s9;
	s6 =	sadd.s32 @!p0 $0x88, s6;
	s7 =	simm.s32 @p2 $0x1082  }
0x22: {  	[simem:s7], [sflag:s8] =	dma.local @!p0 [hbm:s6], $0xF7A  }
0x23: {  	s9 =	sor.u32 $0xD0000000, s2;
	s6 =	simm.s32 $0x108;
	_ =	swait.ge @!p0 [sflag:s8], $0x0  }
0x24: {  	s3 =	sadd.s32 $0x88, s3;
	s6 =	simm.s32 @!p1 $0x1082;
	[sflag:s4] =	ssyncset.s32 $0xFFFFF086  }
0x25: {  	[simem:s6], [sflag:s4] =	dma.local [hbm:s3], $0xF7A  }
0x26: {  	[smem:$0x3F9E] =	sst s1;
	(tag) =	ssettag s2;
	_ =	strace s9  }
0x27: {  	s1 =	sld [smem:$0x3FAE]  }
0x28: {  	s2 =	sld [smem:$0x3FAF]  }
0x29: {  	s4 =	sld [smem:$0x3FB1]  }
0x2a: {  	p0 =	seq.s32 s5, $0x0;
	s5 =	sld [smem:$0x3FB2]  }
0x2b: {  	s6 =	sld [smem:$0x3FB3]  }
0x2c: {  	s7 =	sld [smem:$0x3FB4]  }
0x2d: {  	s3 =	simm.s32 $0x108;
	s8 =	sld [smem:$0x3FB5]  }
0x2e: {  	s3 =	simm.s32 @!p0 $0x1082;
	s9 =	sld [smem:$0x3FB6]  }
0x2f: {  	lr =	sadd.s32 s0, s3;
	s0 =	sld [smem:$0x3FAD]  }
0x30: {  	s3 =	sld [smem:$0x3FB0]  }
0x31: {  	[smem:$0x3FB9] =	sst s10  }
0x32: {  	s10 =	sld [smem:$0x3FB7];
	_ =	sdelay $0x3  }
0x33: {  	p0 =	seq.s32 s10, $0x1;
	s10 =	sld [smem:$0x3FB9];
	_ =	sdelay $0x3  }
0x34: {  	[smem:$0x3FB9] =	sst s10  }
0x35: {  	s10 =	sld [smem:$0x3FB8];
	_ =	sdelay $0x3  }
0x36: {  	p1 =	seq.s32 s10, $0x1;
	s10 =	sld [smem:$0x3FB9];
	_ =	sdelay $0x3  }
0x37: {  	[smem:$0x3FB9] =	sst s10  }
0x38: {  	s10 =	sld [smem:$0x3FBA]  }
0x39: {  	_ = 	snop;
	(pc) =	sbr.ind lr, $3  }
0x3a: {  	_ = 	snop  }
0x3b: {  	_ = 	snop  }
0x3c: {  	p2 =	seq.s32 s10, $0x1;
	s10 =	sld [smem:$0x3FB9]  }
0x3d: {  	_ =	shalt  }
0x3e: {  	_ =	shalt  }
0x3f: {  	_ =	shalt  }
0x40: {  	_ =	shalt  }
0x41: {  	_ =	shalt  }
0x42: {  	_ =	shalt  }
0x43: {  	_ =	shalt  }
0x44: {  	_ =	shalt  }
0x45: {  	_ =	shalt  }
0x46: {  	_ =	shalt  }
0x47: {  	_ =	shalt  }
0x48: {  	_ =	shalt  }
0x49: {  	_ =	shalt  }
0x4a: {  	_ =	shalt  }
0x4b: {  	_ =	shalt  }
0x4c: {  	_ =	shalt  }
0x4d: {  	_ =	shalt  }
0x4e: {  	_ =	shalt  }
0x4f: {  	_ =	shalt  }
0x50: {  	_ =	shalt  }
0x51: {  	_ =	shalt  }
0x52: {  	_ =	shalt  }
0x53: {  	_ =	shalt  }
0x54: {  	_ =	shalt  }
0x55: {  	_ =	shalt  }
0x56: {  	_ =	shalt  }
0x57: {  	_ =	shalt  }
0x58: {  	_ =	shalt  }
0x59: {  	_ =	shalt  }
0x5a: {  	_ =	shalt  }
0x5b: {  	_ =	shalt  }
0x5c: {  	_ =	shalt  }
0x5d: {  	_ =	shalt  }
0x5e: {  	_ =	shalt  }
0x5f: {  	_ =	shalt  }
0x60: {  	_ =	shalt  }
0x61: {  	_ =	shalt  }
0x62: {  	_ =	shalt  }
0x63: {  	_ =	shalt  }
0x64: {  	_ =	shalt  }
0x65: {  	_ =	shalt  }
0x66: {  	_ =	shalt  }
0x67: {  	_ =	shalt  }
0x68: {  	_ =	shalt  }
0x69: {  	_ =	shalt  }
0x6a: {  	_ =	shalt  }
0x6b: {  	_ =	shalt  }
0x6c: {  	_ =	shalt  }
0x6d: {  	_ =	shalt  }
0x6e: {  	_ =	shalt  }
0x6f: {  	_ =	shalt  }
0x70: {  	_ =	shalt  }
0x71: {  	_ =	shalt  }
0x72: {  	_ =	shalt  }
0x73: {  	_ =	shalt  }
0x74: {  	_ =	shalt  }
0x75: {  	_ =	shalt  }
0x76: {  	_ =	shalt  }
0x77: {  	_ =	shalt  }
0x78: {  	_ =	shalt  }
0x79: {  	_ =	shalt  }
0x7a: {  	_ =	shalt  }
0x7b: {  	_ =	shalt  }
0x7c: {  	_ =	shalt  }
0x7d: {  	_ =	shalt  }
0x7e: {  	_ =	shalt  }
0x7f: {  	_ =	shalt  }
0x80: {  	_ =	shalt  }
0x81: {  	_ =	shalt  }
0x82: {  	_ =	shalt  }
0x83: {  	_ =	shalt  }
0x84: {  	_ =	shalt  }
0x85: {  	_ =	shalt  }
0x86: {  	_ =	shalt  }
0x87: {  	_ =	shalt  }
.Lfunc_end0:
.L_simem_size_0:
called_computation_lowered:
.L_overlay_start_0:
0x88: {  	s2 =	sld [smem:$0x3FD9]  }
0x89: {  	s3 =	sld [smem:$0x3FFE];
	_ =	sdelay $0x1  }
0x8a: {  	s1 =	srdreg.scid  }
0x8b: {  	s0 =	sand.u32 $0x1, s1  }
0x8c: {  	s14 =	sshll.u32 s0, $0xA;
	s2 =	sadd.s32 s3, s2  }
0x8d: {  	s2 =	sadd.s32 s2, s14  }
0x8e: {  	[smem:$0x3FC5] =	sst s2  }
0x8f: {  	_ = 	snop  }
0x90: {  	s2 =	sld [smem:$0x3FD0];
	_ =	sdelay $0x2  }
0x91: {  	s15 =	simm.s32 $0xA;
	s4 =	simm.s32 $0x10  }
0x92: {  	[smem:s4], [sflag:s15] =	dma.local [hbm:s2], $0x1  }
0x93: {  	_ =	swait.eq [sflag:s15], $0x1  }
0x94: {  	[sflag:s15] =	ssyncset.done $0x0  }
0x95: {  	[sflag:s15] =	ssyncadd.s32 $0xFFFFFFFF  }
0x96: {  	s16 =	sld [smem:$0x10];
	(tm) =	ssettm $0x1  }
0x97: {  	s17 =	sld [smem:$0x3FFB];
	_ =	sdelay $0x3  }
0x98: {  	_ =	strace s17  }
0x99: {  	s3 =	sld [smem:$0x3FFC];
	_ =	sdelay $0x3  }
0x9a: {  	_ =	strace s3  }
0x9b: {  	s3 =	sld [smem:$0x3FFD];
	_ =	sdelay $0x3  }
0x9c: {  	_ =	strace s3  }
0x9d: {  	_ =	strace $0x8FFFFFFF  }
0x9e: {  	s18 =	sld [smem:$0x3FDB];
	_ =	sdelay $0x1  }
0x9f: {  	s19 =	simm.s32 $_scs_section_size  }
0xa0: {  	s5 =	simm.s32 $_size__tile_overlayer_lowered;
	s6 =	simm.s32 $_tile_overlayer_lowered  }
0xa1: {  	s22 =	simm.s32 $0x1BFF;
	s21 =	sshll.u32 s6, $0x1;
	s3 =	sadd.s32 s19, s18  }
0xa2: {  	s7 =	simm.s32 $0x0;
	s20 =	sshll.u32 s5, $0x1;
	s5 =	sadd.s32 s21, s3  }
0xa3: {  	[timem:s7], [sflag:s22] =	dma.local [hbm:s5], s20  }
0xa4: {  	_ =	swait.ge [sflag:s22], s20  }
0xa5: {  	s4 =	ssub.s32 $0x0, s20;
	[sflag:s22] =	ssyncset.done $0x0  }
0xa6: {  	[sflag:s22] =	ssyncadd.s32 s4;
	_ =	sdelay $0x1  }
0xa7: {  	s23 =	simm.s32 $0x1B8B  }
0xa8: {  	_ =	swait.ge [sflag:s23], $0x1  }
0xa9: {  	[sflag:s23] =	ssyncset.done $0x0  }
0xaa: {  	s25 =	simm.s32 $0x1B8E;
	s24 =	sld [smem:$0x3FFE];
	[sflag:s23] =	ssyncadd.s32 $0xFFFFFFFF  }
0xab: {  	s26 =	simm.s32 $execute0_lowered;
	[smem:$0x3FD2] =	sst s25  }
0xac: {  	s5 =	sshll.u32 s26, $0x1;
	_ =	strace $0x80000046;
	[dreg:$0x1] =	wrdreg $0xFFFFFFFF  }
0xad: {  	s28 =	simm.s32 $_size_execute0_lowered;
	s3 =	sadd.s32 s3, s5;
	[dreg:$0x0] =	wrdreg $0x0  }
0xae: {  	s5 =	sshll.u32 s28, $0x1;
	[dreg:$0x2] =	wrdreg s3  }
0xaf: {  	[dreg:$0x3] =	wrdreg s5  }
0xb0: {  	[dreg:$0x4] =	wrdreg $0xC0  }
0xb1: {  	_ =	task [dreg:s7], $0x5FFFF  }
0xb2: {  	[dreg:$0x1] =	wrdreg $0xFFFFFFFF  }
0xb3: {  	[dreg:$0x0] =	wrdreg $0x60  }
0xb4: {  	[dreg:$0x2] =	wrdreg s24  }
0xb5: {  	[dreg:$0x3] =	wrdreg s16  }
0xb6: {  	[dreg:$0x4] =	wrdreg $0x9  }
0xb7: {  	_ =	task.clear_ibuf [dreg:s7], $0x5FFFF;
	_ =	strace $0x90000046  }
0xb8: {  	s29 =	simm.s32 $0x9;
	_ =	strace $0x80000048  }
0xb9: {  	_ =	swait.ge [sflag:s29], $0x1  }
0xba: {  	[sflag:s29] =	ssyncadd.s32 $0xFFFFFFFF  }
0xbb: {  	_ =	strace $0x90000048  }
0xbc: {  	_ =	sfence  }
0xbd: {  	s30 =	sld [smem:$0x0];
	_ =	sdelay $0x2  }
0xbe: {  	s31 =	sshll.u32 s1, $0xD;
	s1 =	sshrl.u32 s1, $0x2  }
0xbf: {  	s3 =	sand.u32 $0x4000, s31;
	s1 =	sadd.s32 s1, s30  }
0xc0: {  	s0 =	sor.u32 s3, s0;
	s1 =	sshll.u32 s1, $0x11  }
0xc1: {  	s0 =	sor.u32 s1, s0  }
0xc2: {  	s0 =	sadd.s32 $0x8F2B, s0  }
0xc3: {  	[sflag:s0] =	ssyncadd.remote.s32 $0x1  }
0xc4: {  	_ =	sfence.sel $0xFFFF  }
0xc5: {  	[dreg:$0x0] =	wrdreg $0xFFFFFFFF;
	(pc) =	sbr.abs _section_cstart, $3  }
0xc6: {  	[dreg:$0x1] =	wrdreg $0xFFFFFFFF  }
0xc7: {  	_ =	task.clear_ibuf [dreg:s7], $0x2FFFF;
	_ =	strace $0x9FFFFFFF  }
0xc8: {  	(tm) =	ssettm $0x7FFFFFFF  }
0xc9: {  	_ =	shalt  }
tec
execute0_lowered:
.L_overlay_start_1:
0x0: {  	(tag) =	ssettag $0x1  }
0x1: {  	s14 =	rddreg [dreg:$0x0]  }
0x2: {  	s1 =	srdreg.scid;
	s0 =	stileid.u32  }
0x3: {  	s3 =	rddreg [dreg:$0x1];
	s15 =	sand.u32 $0x1, s1;
	s4 =	sshll.u32 s0, $0x1  }
0x4: {  	s2 =	simm.s32 $0x0;
	s1 =	rddreg [dreg:$0x2];
	s16 =	sor.u32 s15, s4  }
0x5: {  	[smem:$0x7FF] =	sst s2;
	s4 =	sshll.u32 s16, $0x6  }
0x6: {  	_ =	strace $0x80000047;
	s4 =	sadd.s32 s3, s4;
	s3 =	simm.s32 $0x2  }
0x7: {  	[tilespmem:s2], [sflag:$0x2] =	stream.linear.gather [hbm4b:s4+s2], $0x200, $0x38;
	[tilespmem:$0x10200] =	vst v63  }
0x8: {  	_ =	swait.ge [sflag:s3], $0x200  }
0x9: {  	s6 =	simm.s32 $0x80;
	[sflag:s3] =	ssyncset.done $0x0  }
0xa: {  	s7 =	simm.s32 $0x200;
	s5 =	sadd.s32 $0xE00, s14;
	[sflag:s3] =	ssyncadd.s32 $0xFFFFFE00  }
0xb: {  	[tilespmem:s7], [sflag:$0x1] =	stream.indirect.gather [hbm4b:s5+s6], $0x80, s2, s6, $0xb8;
	[tilespmem:$0x10200] =	vst v63  }
0xc: {  	s8 =	simm.s32 $0x4200  }
0xd: {  	[tilespmem:s8], [sflag:$0x1] =	stream.indirect.gather [hbm4b:s5+s6], $0x80, s6, s6, $0xb8;
	[tilespmem:$0x10200] =	vst v63  }
0xe: {  	s9 =	simm.s32 $0x100;
	s10 =	simm.s32 $0x8200  }
0xf: {  	[tilespmem:s10], [sflag:$0x1] =	stream.indirect.gather [hbm4b:s5+s6], $0x80, s9, s6, $0xb8;
	[tilespmem:$0x10200] =	vst v63  }
0x10: {  	s11 =	simm.s32 $0x180;
	s12 =	simm.s32 $0xC200;
	s13 =	simm.s32 $0x1  }
0x11: {  	[tilespmem:s12], [sflag:$0x1] =	stream.indirect.gather [hbm4b:s5+s6], $0x80, s11, s6, $0xb8;
	[tilespmem:$0x10200] =	vst v63  }
0x12: {  	_ =	swait.ge [sflag:s13], $0x4000  }
0x13: {  	[sflag:s13] =	ssyncset.done $0x0  }
0x14: {  	[sflag:s13] =	ssyncadd.s32 $0xFFFFC000  }
0x15: {  	_ =	swait.ge [sflag:s13], $0x4000  }
0x16: {  	[sflag:s13] =	ssyncset.done $0x0  }
0x17: {  	s15 =	ssub.s32 $0x2, s15;
	[sflag:s13] =	ssyncadd.s32 $0xFFFFC000  }
0x18: {  	s17 =	sshrl.u32 s15, $0x1;
	_ =	swait.ge [sflag:s13], $0x4000  }
0x19: {  	s15 =	ssub.s32 s15, s17;
	[sflag:s13] =	ssyncset.done $0x0  }
0x1a: {  	s15 =	smax.u32 s15, $0x1;
	[sflag:s13] =	ssyncadd.s32 $0xFFFFC000  }
0x1b: {  	s16 =	sshll.u32 s16, $0xD;
	p0 =	sne.s32 s15, $0x1;
	_ =	swait.ge [sflag:s13], $0x4000  }
.Ltmp0:
0x1c: {  	s14 =	sadd.s32 s16, s14;
	[sflag:s13] =	ssyncset.done $0x0;
	(pc) =	sbr.rel @!p0 .LBB2_2-.Ltmp0, $4  }
0x1d: {  	s14 =	sadd.s32 $0x20E00, s14;
	[sflag:s13] =	ssyncadd.s32 $0xFFFFC000  }
0x1e: {  	[hbm4b:s14+s2] =	stream.linear.scatter [tilespmem:s7], [sflag:$0x2], $0x10000, $0x38;
	[tilespmem:$0x10200] =	vst v63  }
0x1f: {  	_ =	swait.ge [sflag:s3], $0x10000  }
0x20: {  	s15 =	sadd.s32 $0xFFFFFFFF, s15;
	[sflag:s3] =	ssyncset.done $0x0  }
.LBB2_1:
0x21: {  	p0 =	sne.s32 s15, $0x1;
	s15 =	sadd.s32 $0xFFFFFFFF, s15;
	[sflag:s3] =	ssyncadd.s32 $0xFFFF0000  }
0x22: {  	[tilespmem:s2], [sflag:$0x2] =	stream.linear.gather [hbm4b:s4+s2], $0x200, $0x38;
	[tilespmem:$0x10200] =	vst v63  }
0x23: {  	_ =	swait.ge [sflag:s3], $0x200  }
0x24: {  	[sflag:s3] =	ssyncset.done $0x0  }
0x25: {  	[sflag:s3] =	ssyncadd.s32 $0xFFFFFE00  }
0x26: {  	[tilespmem:s7], [sflag:$0x1] =	stream.indirect.gather [hbm4b:s5+s6], $0x80, s2, s6, $0xb8;
	[tilespmem:$0x10200] =	vst v63  }
0x27: {  	_ = 	snop  }
0x28: {  	[tilespmem:s8], [sflag:$0x1] =	stream.indirect.gather [hbm4b:s5+s6], $0x80, s6, s6, $0xb8;
	[tilespmem:$0x10200] =	vst v63  }
0x29: {  	_ = 	snop  }
0x2a: {  	[tilespmem:s10], [sflag:$0x1] =	stream.indirect.gather [hbm4b:s5+s6], $0x80, s9, s6, $0xb8;
	[tilespmem:$0x10200] =	vst v63  }
0x2b: {  	_ = 	snop  }
0x2c: {  	[tilespmem:s12], [sflag:$0x1] =	stream.indirect.gather [hbm4b:s5+s6], $0x80, s11, s6, $0xb8;
	[tilespmem:$0x10200] =	vst v63  }
0x2d: {  	_ =	swait.ge [sflag:s13], $0x4000  }
0x2e: {  	[sflag:s13] =	ssyncset.done $0x0  }
0x2f: {  	[sflag:s13] =	ssyncadd.s32 $0xFFFFC000  }
0x30: {  	_ =	swait.ge [sflag:s13], $0x4000  }
0x31: {  	[sflag:s13] =	ssyncset.done $0x0  }
0x32: {  	[sflag:s13] =	ssyncadd.s32 $0xFFFFC000  }
0x33: {  	_ =	swait.ge [sflag:s13], $0x4000  }
0x34: {  	[sflag:s13] =	ssyncset.done $0x0  }
0x35: {  	[sflag:s13] =	ssyncadd.s32 $0xFFFFC000  }
0x36: {  	_ =	swait.ge [sflag:s13], $0x4000  }
.Ltmp1:
0x37: {  	[sflag:s13] =	ssyncset.done $0x0;
	(pc) =	sbr.rel @p0 .LBB2_1-.Ltmp1, $4  }
0x38: {  	[sflag:s13] =	ssyncadd.s32 $0xFFFFC000  }
0x39: {  	[hbm4b:s14+s2] =	stream.linear.scatter [tilespmem:s7], [sflag:$0x2], $0x10000, $0x38;
	[tilespmem:$0x10200] =	vst v63  }
0x3a: {  	_ =	swait.ge [sflag:s3], $0x10000  }
0x3b: {  	[sflag:s3] =	ssyncset.done $0x0  }
.LBB2_2:
0x3c: {  	[sflag:s3] =	ssyncadd.s32 $0xFFFF0000  }
0x3d: {  	_ =	sfence.sel $0x180000  }
0x3e: {  	[bflag:$0x0] =	sbarrier.arrive $0xFFFF  }
0x3f: {  	p0 =	sne.s32 s0, $0x0;
	_ =	strace $0x90000047  }
0x40: {  	s0 =	sadd.s32 @!p0 $0x100000, s1;
	[bflag:$0x2] =	sbarrier.arrive $0xFFFF  }
0x41: {  	[sflag:s0] =	ssyncadd.tile.s32 @!p0 $0x1;
	_ =	shalt  }
.Lfunc_end2:
_tile_overlayer_lowered:
.L_overlay_start_2:
0x42: {  	(tag) =	ssettag $0x2  }
0x43: {  	s0 =	rddreg [dreg:$0x0];
	s2 =	stileid.u32  }
0x44: {  	s1 =	rddreg [dreg:$0x1];
	p0 =	sne.s32 s2, $0x0  }
0x45: {  	s3 =	rddreg [dreg:$0x2];
	[bflag:$0x3] =	sbarrier.arrive $0xFFFF;
	s2 =	simm.s32 @!p0 $0x1C02  }
0x46: {  	[timem:s3], [sflag:s2] =	dma.local @!p0 [hbm:s0], s1  }
0x47: {  	s0 =	simm.s32 @!p0 $0x2  }
0x48: {  	_ =	swait.ge @!p0 [sflag:s0], s1  }
0x49: {  	s1 =	ssub.s32 @!p0 $0x0, s1;
	[sflag:s0] =	ssyncset.done @!p0 $0x0  }
0x4a: {  	[sflag:s0] =	ssyncadd.s32 @!p0 s1  }
0x4b: {  	[bflag:$0x3] =	sbarrier.arrive $0xFFFF  }
0x4c: {  	_ =	shalt  }

</sc_bundles>
